<compile_context>
chip_gen: v7x
topology: tpu7x:2x2x1
jax: 0.10.2.dev20260603
libtpu: 0.0.44.dev20260713+nightly
codegen_flags: <defaults>
</compile_context>

<pallas_src>
import functools

import jax
import jax.numpy as jnp
from jax import lax
from jax.experimental import pallas as pl
from jax.experimental.pallas import tpu as pltpu
from jax.experimental.pallas import tpu_sc as plsc

_N = 8192
_DX = 128
_DZ = 32
_K = 10
_BR = 1024
_NB = _N // _BR
_D = 32
_W = _N // _D
_AX = _DX + 8
_BIG = 3.0e38
_NW = 32
_RW = _N // _NW


def _topk_body(X_ref, Xr_ref, idx_ref, xn_ref, Ba_ref):
    i = pl.program_id(0)
    Xr = Xr_ref[...]

    @pl.when(i == 0)
    def _():
        X = X_ref[...]
        Ba_ref[:, : _DX] = -2.0 * X
        Ba_ref[:, _DX:] = jnp.broadcast_to(
            jnp.sum(X * X, axis=1)[:, None], (_N, _AX - _DX))

    x2r = jnp.sum(Xr * Xr, axis=1)

    one_pad = jnp.concatenate(
        [jnp.ones((_BR, 1), jnp.float32), jnp.zeros((_BR, 7), jnp.float32)],
        axis=1)
    A = jnp.concatenate([Xr, one_pad], axis=1)

    ids0 = jax.lax.broadcasted_iota(jnp.int32, (_BR, _W), 1)

    def _slice_e(s):
        return jax.lax.dot_general(
            A, Ba_ref[pl.ds(s * _W, _W), :], (((1,), (1,)), ((), ())),
            preferred_element_type=jnp.float32)

    e0 = _slice_e(0)
    e1 = _slice_e(1)
    c0 = e0 < e1
    m1 = jnp.minimum(e0, e1)
    m2 = jnp.maximum(e0, e1)
    j1 = jnp.where(c0, ids0, ids0 + _W)
    j2 = jnp.where(c0, ids0 + _W, ids0)
    for s in range(2, _D):
        e = _slice_e(s)
        je = ids0 + (s * _W)
        c1 = e < m1
        c2 = e < m2
        m2 = jnp.where(c1, m1, jnp.where(c2, e, m2))
        j2 = jnp.where(c1, j1, jnp.where(c2, je, j2))
        m1 = jnp.where(c1, e, m1)
        j1 = jnp.where(c1, je, j1)

    row_g = jax.lax.broadcasted_iota(jnp.int32, (_BR, 1), 0) + i * _BR
    diag = ids0 == (row_g % _W)
    m1 = jnp.where(diag, m2, m1)
    j1 = jnp.where(diag, j2, j1)
    m2 = jnp.where(diag, _BIG, m2)

    dd = jnp.concatenate([m1, m2], axis=1)
    jj = jnp.concatenate([j1, j2], axis=1)

    xs = []
    js = []
    m = jnp.min(dd, axis=1)
    for t in range(_K):
        sel = dd == m[:, None]
        js.append(jnp.max(jnp.where(sel, jj, -1), axis=1))
        xs.append(m)
        if t < _K - 1:
            dd = jnp.where(sel, _BIG, dd)
            m = jnp.min(dd, axis=1)

    xv = jnp.stack(xs, axis=0) + x2r[None, :]
    x_dist = jnp.sqrt(jnp.maximum(xv, 0.0))
    x_max = jnp.maximum(x_dist[_K - 1], 1e-8)
    xn = x_dist / x_max[None, :]
    xn16 = jnp.concatenate(
        [xn, jnp.zeros((16 - _K, _BR), jnp.float32)], axis=0)
    jv16 = jnp.concatenate(
        [jnp.stack(js, axis=0), jnp.zeros((16 - _K, _BR), jnp.int32)],
        axis=0)
    idx_ref[...] = jv16.T
    xn_ref[...] = xn16.T


_GDN = lax.GatherDimensionNumbers(
    offset_dims=(), collapsed_slice_dims=(0,), start_index_map=(0,))


def _shuffle16(x, idx):
    return lax.gather(x, idx[:, None], _GDN, slice_sizes=(1,),
                      mode=lax.GatherScatterMode.PROMISE_IN_BOUNDS)


def _butterfly16(x, op, lane):
    for c in (1, 2, 4, 8):
        x = op(x, _shuffle16(x, lax.bitwise_xor(lane, c)))
    return x


def _vsqrt16(y):
    yb = lax.bitcast_convert_type(y, jnp.int32)
    r = lax.bitcast_convert_type(0x5F3759DF - (yb >> 1), jnp.float32)
    for _ in range(3):
        r = r * (1.5 - 0.5 * y * r * r)
    return y * r


def _sc_loss_body(z_hbm, idx_hbm, xn_hbm, out_hbm,
                  idx_v, xn_v, zown, znb, acc_v, sem):
    c = lax.axis_index("c")
    s = lax.axis_index("s")
    wid = s * 2 + c
    base = wid * _RW
    pltpu.sync_copy(idx_hbm.at[pl.ds(base, _RW), :], idx_v)
    pltpu.sync_copy(xn_hbm.at[pl.ds(base, _RW), :], xn_v)
    pltpu.sync_copy(z_hbm.at[pl.ds(base, _RW), :], zown)
    lane = lax.iota(jnp.int32, 16)
    kmask = lane < _K

    def row_body(r, acc):
        pltpu.async_copy(z_hbm.at[idx_v.at[r]], znb, sem).wait()
        z_lo = zown[r, pl.ds(0, 16)]
        z_hi = zown[r, pl.ds(16, 16)]
        zd2 = jnp.zeros((16,), jnp.float32)
        for k in range(16):
            d_lo = z_lo - znb[k, pl.ds(0, 16)]
            d_hi = z_hi - znb[k, pl.ds(16, 16)]
            sq = d_lo * d_lo + d_hi * d_hi
            ssum = _butterfly16(sq, jnp.add, lane)
            zd2 = jnp.where(lane == k, ssum, zd2)
        zn = _vsqrt16(zd2)
        zmax = jnp.maximum(
            _butterfly16(jnp.where(kmask, zn, 0.0), jnp.maximum, lane), 1e-8)
        terms = jnp.where(kmask, jnp.abs(zn / zmax - xn_v[r]), 0.0)
        return acc + terms

    acc = lax.fori_loop(0, _RW, row_body, jnp.zeros((16,), jnp.float32))
    acc_v[...] = acc
    pltpu.sync_copy(acc_v, out_hbm.at[wid])


def _sum_body(part_ref, out_ref):
    p = jnp.sum(part_ref[...], axis=0, keepdims=True)
    out_ref[...] = jnp.sum(p, axis=1, keepdims=True) / (_N * _K)


def kernel(z, X):
    idx, xn = pl.pallas_call(
        _topk_body,
        grid=(_NB,),
        in_specs=[
            pl.BlockSpec((_N, _DX), lambda i: (0, 0)),
            pl.BlockSpec((_BR, _DX), lambda i: (i, 0)),
        ],
        out_specs=[
            pl.BlockSpec((_BR, 16), lambda i: (i, 0)),
            pl.BlockSpec((_BR, 16), lambda i: (i, 0)),
        ],
        out_shape=[
            jax.ShapeDtypeStruct((_N, 16), jnp.int32),
            jax.ShapeDtypeStruct((_N, 16), jnp.float32),
        ],
        scratch_shapes=[
            pltpu.VMEM((_N, _AX), jnp.float32),
        ],
    )(X, X)

    sc_loss = functools.partial(
        pl.kernel,
        mesh=plsc.VectorSubcoreMesh(core_axis_name="c", subcore_axis_name="s"),
        out_type=jax.ShapeDtypeStruct((_NW, 16), jnp.float32),
        scratch_types=[
            pltpu.VMEM((_RW, 16), jnp.int32),
            pltpu.VMEM((_RW, 16), jnp.float32),
            pltpu.VMEM((_RW, 128), jnp.float32),
            pltpu.VMEM((16, 128), jnp.float32),
            pltpu.VMEM((16,), jnp.float32),
            pltpu.SemaphoreType.DMA,
        ],
    )(_sc_loss_body)
    zp = jnp.concatenate(
        [z, jnp.zeros((_N, 128 - _DZ), jnp.float32)], axis=1)
    parts = sc_loss(zp, idx, xn)

    out = pl.pallas_call(
        _sum_body,
        out_shape=jax.ShapeDtypeStruct((1, 1), jnp.float32),
    )(parts)
    return out[0, 0]

# --- scband reference (transcript-rebuilt; emitter-appended) ---
"""Pipeline reference for scband-manifold-emb-loss-29257317220640 (READ-ONLY COPY).

The authoritative reference and input builder live on the scoring server;
editing this copy changes nothing except your own understanding.
"""

import jax, jax.numpy as jnp
import numpy as np

N = 8192
D_X = 128
D_Z = 32
K = 10


def setup_inputs(seed: int = 0) -> dict:
    key = jax.random.key(seed)
    k1, k2 = jax.random.split(key)
    z = jax.random.normal(k1, (N, D_Z), dtype=jnp.float32)
    X = jax.random.normal(k2, (N, D_X), dtype=jnp.float32)
    return {"z": z, "X": X}


def _full_cdist(X):
    x2 = jnp.sum(X * X, axis=1)
    d2 = x2[:, None] + x2[None, :] - 2.0 * (X @ X.T)
    d2 = jnp.maximum(d2, 0.0)
    return jnp.sqrt(d2)


def _knn_indices(X, k):
    dist = _full_cdist(X)
    _, idx = jax.lax.top_k(-dist, k + 1)
    return idx[:, 1:]


def reference(z, X):
    n = z.shape[0]
    idx = _knn_indices(X, K)
    idx = jnp.clip(idx, 0, n - 1)
    z_nb = z[idx]
    x_nb = X[idx]
    x_dist = jnp.sqrt(jnp.sum((X[:, None, :] - x_nb) ** 2, axis=-1))
    z_dist = jnp.sqrt(jnp.sum((z[:, None, :] - z_nb) ** 2, axis=-1))
    x_max = jnp.maximum(jnp.max(x_dist, axis=1, keepdims=True), 1e-8)
    z_max = jnp.maximum(jnp.max(z_dist, axis=1, keepdims=True), 1e-8)
    x_dist = x_dist / x_max
    z_dist = z_dist / z_max
    loss1 = jnp.mean(jnp.abs(z_dist - x_dist))
    return loss1

if __name__ == "__main__":
    import jax
    _d = setup_inputs()
    print(jax.jit(kernel)(*tuple(_d.values())))

</pallas_src>

<mosaic_0001>
#map = affine_map<(d0, d1) -> (0, 0)>
module attributes {stable_mosaic.version = 14 : i64} {
  func.func @_sc_loss_body(%arg0: i32, %arg1: i32, %arg2: memref<8192x128xf32, #tpu.memory_space<hbm>>, %arg3: memref<8192x16xi32, #tpu.memory_space<hbm>>, %arg4: memref<8192x16xf32, #tpu.memory_space<hbm>>, %arg5: memref<32x16xf32, #tpu.memory_space<hbm>>, %arg6: memref<256x16xi32, #tpu.memory_space<vmem>>, %arg7: memref<256x16xf32, #tpu.memory_space<vmem>>, %arg8: memref<256x128xf32, #tpu.memory_space<vmem>>, %arg9: memref<16x128xf32, #tpu.memory_space<vmem>>, %arg10: memref<16xf32, #tpu.memory_space<vmem>>, %arg11: memref<!tpu.dma_semaphore, #tpu.memory_space<semaphore_mem>>) attributes {dimension_semantics = [#tpu.dimension_semantics<core_parallel>, #tpu.dimension_semantics<subcore_parallel>], iteration_bounds = array<i64: 2, 16>, scalar_prefetch = 0 : i64, scratch_operands = 6 : i64, tpu.core_type = #tpu.core_type<sc_vector_subcore>, window_params = [{transform_indices = #map}, {transform_indices = #map}, {transform_indices = #map}, {transform_indices = #map}]} {
    %mul3A = arith.constant 2 : i32
    %mul3A_0 = arith.muli %arg1, %mul3A : i32
    %add3A = arith.addi %mul3A_0, %arg0 : i32
    %mul3A_1 = arith.constant 256 : i32
    %mul3A_2 = arith.muli %add3A, %mul3A_1 : i32
    "tpu.region"() ({
      %run_scoped3A = tpu.sem_alloc : memref<!tpu.dma_semaphore, #tpu.memory_space<semaphore_mem>>
      %dma_start3A = arith.constant 0 : i32
      %dma_start3A_14 = tpu.memref_slice %arg3[%mul3A_2, %dma_start3A] : memref<8192x16xi32, #tpu.memory_space<hbm>> -> memref<256x16xi32, #tpu.memory_space<hbm>>
      %dma_start3A_15 = arith.constant 0 : i32
      %dma_start3A_16 = tpu.memref_slice %arg3[%mul3A_2, %dma_start3A_15] : memref<8192x16xi32, #tpu.memory_space<hbm>> -> memref<256x16xi32, #tpu.memory_space<hbm>>
      tpu.enqueue_dma source(%dma_start3A_16 : memref<256x16xi32, #tpu.memory_space<hbm>>) target(%arg6 : memref<256x16xi32, #tpu.memory_space<vmem>>) target_semaphore(%run_scoped3A : memref<!tpu.dma_semaphore, #tpu.memory_space<semaphore_mem>>)
      %dma_wait3A = arith.constant 0 : i32
      %dma_wait3A_17 = tpu.memref_slice %arg3[%mul3A_2, %dma_wait3A] : memref<8192x16xi32, #tpu.memory_space<hbm>> -> memref<256x16xi32, #tpu.memory_space<hbm>>
      %dma_wait3A_18 = arith.constant 0 : i32
      %dma_wait3A_19 = tpu.memref_slice %arg3[%mul3A_2, %dma_wait3A_18] : memref<8192x16xi32, #tpu.memory_space<hbm>> -> memref<256x16xi32, #tpu.memory_space<hbm>>
      tpu.wait_dma2 semaphore(%run_scoped3A : memref<!tpu.dma_semaphore, #tpu.memory_space<semaphore_mem>>) src(%dma_wait3A_19 : memref<256x16xi32, #tpu.memory_space<hbm>>) dst(%arg6 : memref<256x16xi32, #tpu.memory_space<vmem>>)
      tpu.yield
    }) : () -> ()
    "tpu.region"() ({
      %run_scoped3A = tpu.sem_alloc : memref<!tpu.dma_semaphore, #tpu.memory_space<semaphore_mem>>
      %dma_start3A = arith.constant 0 : i32
      %dma_start3A_14 = tpu.memref_slice %arg4[%mul3A_2, %dma_start3A] : memref<8192x16xf32, #tpu.memory_space<hbm>> -> memref<256x16xf32, #tpu.memory_space<hbm>>
      %dma_start3A_15 = arith.constant 0 : i32
      %dma_start3A_16 = tpu.memref_slice %arg4[%mul3A_2, %dma_start3A_15] : memref<8192x16xf32, #tpu.memory_space<hbm>> -> memref<256x16xf32, #tpu.memory_space<hbm>>
      tpu.enqueue_dma source(%dma_start3A_16 : memref<256x16xf32, #tpu.memory_space<hbm>>) target(%arg7 : memref<256x16xf32, #tpu.memory_space<vmem>>) target_semaphore(%run_scoped3A : memref<!tpu.dma_semaphore, #tpu.memory_space<semaphore_mem>>)
      %dma_wait3A = arith.constant 0 : i32
      %dma_wait3A_17 = tpu.memref_slice %arg4[%mul3A_2, %dma_wait3A] : memref<8192x16xf32, #tpu.memory_space<hbm>> -> memref<256x16xf32, #tpu.memory_space<hbm>>
      %dma_wait3A_18 = arith.constant 0 : i32
      %dma_wait3A_19 = tpu.memref_slice %arg4[%mul3A_2, %dma_wait3A_18] : memref<8192x16xf32, #tpu.memory_space<hbm>> -> memref<256x16xf32, #tpu.memory_space<hbm>>
      tpu.wait_dma2 semaphore(%run_scoped3A : memref<!tpu.dma_semaphore, #tpu.memory_space<semaphore_mem>>) src(%dma_wait3A_19 : memref<256x16xf32, #tpu.memory_space<hbm>>) dst(%arg7 : memref<256x16xf32, #tpu.memory_space<vmem>>)
      tpu.yield
    }) : () -> ()
    "tpu.region"() ({
      %run_scoped3A = tpu.sem_alloc : memref<!tpu.dma_semaphore, #tpu.memory_space<semaphore_mem>>
      %dma_start3A = arith.constant 0 : i32
      %dma_start3A_14 = tpu.memref_slice %arg2[%mul3A_2, %dma_start3A] : memref<8192x128xf32, #tpu.memory_space<hbm>> -> memref<256x128xf32, #tpu.memory_space<hbm>>
      %dma_start3A_15 = arith.constant 0 : i32
      %dma_start3A_16 = tpu.memref_slice %arg2[%mul3A_2, %dma_start3A_15] : memref<8192x128xf32, #tpu.memory_space<hbm>> -> memref<256x128xf32, #tpu.memory_space<hbm>>
      tpu.enqueue_dma source(%dma_start3A_16 : memref<256x128xf32, #tpu.memory_space<hbm>>) target(%arg8 : memref<256x128xf32, #tpu.memory_space<vmem>>) target_semaphore(%run_scoped3A : memref<!tpu.dma_semaphore, #tpu.memory_space<semaphore_mem>>)
      %dma_wait3A = arith.constant 0 : i32
      %dma_wait3A_17 = tpu.memref_slice %arg2[%mul3A_2, %dma_wait3A] : memref<8192x128xf32, #tpu.memory_space<hbm>> -> memref<256x128xf32, #tpu.memory_space<hbm>>
      %dma_wait3A_18 = arith.constant 0 : i32
      %dma_wait3A_19 = tpu.memref_slice %arg2[%mul3A_2, %dma_wait3A_18] : memref<8192x128xf32, #tpu.memory_space<hbm>> -> memref<256x128xf32, #tpu.memory_space<hbm>>
      tpu.wait_dma2 semaphore(%run_scoped3A : memref<!tpu.dma_semaphore, #tpu.memory_space<semaphore_mem>>) src(%dma_wait3A_19 : memref<256x128xf32, #tpu.memory_space<hbm>>) dst(%arg8 : memref<256x128xf32, #tpu.memory_space<vmem>>)
      tpu.yield
    }) : () -> ()
    %iota3A = tpu.iota {dimensions = array<i32: 0>} : vector<16xi32>
    %lt3A = arith.constant 10 : i32
    %lt3A_3 = vector.broadcast %lt3A : i32 to vector<16xi32>
    %lt3A_4 = arith.cmpi slt, %iota3A, %lt3A_3 : vector<16xi32>
    %broadcast_in_dim3A = arith.constant 0.000000e+00 : f32
    %broadcast_in_dim3A_5 = vector.broadcast %broadcast_in_dim3A : f32 to vector<16xf32>
    %scan3A = arith.constant 0 : i32
    %scan3A_6 = arith.constant 256 : i32
    %scan3A_7 = arith.addi %scan3A, %scan3A_6 : i32
    %scan3A_8 = arith.constant 1 : i32
    %scan3A_9 = scf.for %scan3A_14 = %scan3A to %scan3A_7 step %scan3A_8 iter_args(%scan3A_15 = %broadcast_in_dim3A_5) -> (vector<16xf32>)  : i32 {
      %dma_start3A = arith.constant 0 : i32
      %dma_start3A_16 = tpu.memref_slice %arg6[%scan3A_14, %dma_start3A] : memref<256x16xi32, #tpu.memory_space<vmem>> -> memref<1x16xi32, #tpu.memory_space<vmem>>
      %dma_start3A_17 = tpu.memref_squeeze %dma_start3A_16 : memref<1x16xi32, #tpu.memory_space<vmem>> -> memref<16xi32, #tpu.memory_space<vmem>>
      %dma_start3A_18 = arith.constant 0 : i32
      %dma_start3A_19 = arith.constant 0 : i32
      %dma_start3A_20 = tpu.memref_slice %arg2[%dma_start3A_18, %dma_start3A_19] : memref<8192x128xf32, #tpu.memory_space<hbm>> -> memref<8192x128xf32, #tpu.memory_space<hbm>>
      tpu.enqueue_indirect_dma source(%dma_start3A_20 : memref<8192x128xf32, #tpu.memory_space<hbm>>) target(%arg9 : memref<16x128xf32, #tpu.memory_space<vmem>>) offsets(%dma_start3A_17 : memref<16xi32, #tpu.memory_space<vmem>>) semaphore(%arg11 : memref<!tpu.dma_semaphore, #tpu.memory_space<semaphore_mem>>)
      %dma_wait3A = arith.constant 0 : i32
      %dma_wait3A_21 = tpu.memref_slice %arg6[%scan3A_14, %dma_wait3A] : memref<256x16xi32, #tpu.memory_space<vmem>> -> memref<1x16xi32, #tpu.memory_space<vmem>>
      %dma_wait3A_22 = tpu.memref_squeeze %dma_wait3A_21 : memref<1x16xi32, #tpu.memory_space<vmem>> -> memref<16xi32, #tpu.memory_space<vmem>>
      %dma_wait3A_23 = arith.constant 0 : i32
      %dma_wait3A_24 = arith.constant 0 : i32
      %dma_wait3A_25 = tpu.memref_slice %arg2[%dma_wait3A_23, %dma_wait3A_24] : memref<8192x128xf32, #tpu.memory_space<hbm>> -> memref<8192x128xf32, #tpu.memory_space<hbm>>
      tpu.wait_indirect_dma semaphore(%arg11 : memref<!tpu.dma_semaphore, #tpu.memory_space<semaphore_mem>>) src(%dma_wait3A_25 : memref<8192x128xf32, #tpu.memory_space<hbm>>) dst(%arg9 : memref<16x128xf32, #tpu.memory_space<vmem>>)
      %get3A = arith.index_cast %scan3A_14 : i32 to index
      %get3A_26 = arith.constant 0 : index
      %get3A_27 = tpu.vector_load %arg8[%get3A, %get3A_26] {strides = array<i32>} : memref<256x128xf32, #tpu.memory_space<vmem>>, vector<1x16xf32>,
      %get3A_28 = vector.shape_cast %get3A_27 : vector<1x16xf32> to vector<16xf32>
      %get3A_29 = arith.index_cast %scan3A_14 : i32 to index
      %get3A_30 = arith.constant 16 : index
      %get3A_31 = tpu.vector_load %arg8[%get3A_29, %get3A_30] {strides = array<i32>} : memref<256x128xf32, #tpu.memory_space<vmem>>, vector<1x16xf32>,
      %get3A_32 = vector.shape_cast %get3A_31 : vector<1x16xf32> to vector<16xf32>
      %broadcast_in_dim3A_33 = arith.constant 0.000000e+00 : f32
      %broadcast_in_dim3A_34 = vector.broadcast %broadcast_in_dim3A_33 : f32 to vector<16xf32>
      %get3A_35 = arith.constant 0 : i32
      %get3A_36 = arith.index_cast %get3A_35 : i32 to index
      %get3A_37 = arith.constant 0 : index
      %get3A_38 = tpu.vector_load %arg9[%get3A_36, %get3A_37] {strides = array<i32>} : memref<16x128xf32, #tpu.memory_space<vmem>>, vector<1x16xf32>,
      %get3A_39 = vector.shape_cast %get3A_38 : vector<1x16xf32> to vector<16xf32>
      %sub3A = arith.subf %get3A_28, %get3A_39 : vector<16xf32>
      %get3A_40 = arith.constant 0 : i32
      %get3A_41 = arith.index_cast %get3A_40 : i32 to index
      %get3A_42 = arith.constant 16 : index
      %get3A_43 = tpu.vector_load %arg9[%get3A_41, %get3A_42] {strides = array<i32>} : memref<16x128xf32, #tpu.memory_space<vmem>>, vector<1x16xf32>,
      %get3A_44 = vector.shape_cast %get3A_43 : vector<1x16xf32> to vector<16xf32>
      %sub3A_45 = arith.subf %get3A_32, %get3A_44 : vector<16xf32>
      %mul3A_46 = arith.mulf %sub3A, %sub3A : vector<16xf32>
      %mul3A_47 = arith.mulf %sub3A_45, %sub3A_45 : vector<16xf32>
      %add3A_48 = arith.addf %mul3A_46, %mul3A_47 : vector<16xf32>
      %xor3A = arith.constant 1 : i32
      %xor3A_49 = vector.broadcast %xor3A : i32 to vector<16xi32>
      %xor3A_50 = arith.xori %iota3A, %xor3A_49 : vector<16xi32>
      %broadcast_in_dim3A_51 = vector.shape_cast %xor3A_50 : vector<16xi32> to vector<16x1xi32>
      %gather3A = vector.shape_cast %broadcast_in_dim3A_51 : vector<16x1xi32> to vector<16xi32>
      %gather3A_52 = tpu.dynamic_gather %add3A_48[%gather3A] in [0] : vector<16xf32>, vector<16xi32> -> vector<16xf32>
      %add3A_53 = arith.addf %add3A_48, %gather3A_52 : vector<16xf32>
      %xor3A_54 = arith.constant 2 : i32
      %xor3A_55 = vector.broadcast %xor3A_54 : i32 to vector<16xi32>
      %xor3A_56 = arith.xori %iota3A, %xor3A_55 : vector<16xi32>
      %broadcast_in_dim3A_57 = vector.shape_cast %xor3A_56 : vector<16xi32> to vector<16x1xi32>
      %gather3A_58 = vector.shape_cast %broadcast_in_dim3A_57 : vector<16x1xi32> to vector<16xi32>
      %gather3A_59 = tpu.dynamic_gather %add3A_53[%gather3A_58] in [0] : vector<16xf32>, vector<16xi32> -> vector<16xf32>
      %add3A_60 = arith.addf %add3A_53, %gather3A_59 : vector<16xf32>
      %xor3A_61 = arith.constant 4 : i32
      %xor3A_62 = vector.broadcast %xor3A_61 : i32 to vector<16xi32>
      %xor3A_63 = arith.xori %iota3A, %xor3A_62 : vector<16xi32>
      %broadcast_in_dim3A_64 = vector.shape_cast %xor3A_63 : vector<16xi32> to vector<16x1xi32>
      %gather3A_65 = vector.shape_cast %broadcast_in_dim3A_64 : vector<16x1xi32> to vector<16xi32>
      %gather3A_66 = tpu.dynamic_gather %add3A_60[%gather3A_65] in [0] : vector<16xf32>, vector<16xi32> -> vector<16xf32>
      %add3A_67 = arith.addf %add3A_60, %gather3A_66 : vector<16xf32>
      %xor3A_68 = arith.constant 8 : i32
      %xor3A_69 = vector.broadcast %xor3A_68 : i32 to vector<16xi32>
      %xor3A_70 = arith.xori %iota3A, %xor3A_69 : vector<16xi32>
      %broadcast_in_dim3A_71 = vector.shape_cast %xor3A_70 : vector<16xi32> to vector<16x1xi32>
      %gather3A_72 = vector.shape_cast %broadcast_in_dim3A_71 : vector<16x1xi32> to vector<16xi32>
      %gather3A_73 = tpu.dynamic_gather %add3A_67[%gather3A_72] in [0] : vector<16xf32>, vector<16xi32> -> vector<16xf32>
      %add3A_74 = arith.addf %add3A_67, %gather3A_73 : vector<16xf32>
      %eq3A = arith.constant 0 : i32
      %eq3A_75 = vector.broadcast %eq3A : i32 to vector<16xi32>
      %eq3A_76 = arith.cmpi eq, %iota3A, %eq3A_75 : vector<16xi32>
      %select_n3A = arith.select %eq3A_76, %add3A_74, %broadcast_in_dim3A_34 : vector<16xi1>, vector<16xf32>
      %get3A_77 = arith.constant 1 : i32
      %get3A_78 = arith.index_cast %get3A_77 : i32 to index
      %get3A_79 = arith.constant 0 : index
      %get3A_80 = tpu.vector_load %arg9[%get3A_78, %get3A_79] {strides = array<i32>} : memref<16x128xf32, #tpu.memory_space<vmem>>, vector<1x16xf32>,
      %get3A_81 = vector.shape_cast %get3A_80 : vector<1x16xf32> to vector<16xf32>
      %sub3A_82 = arith.subf %get3A_28, %get3A_81 : vector<16xf32>
      %get3A_83 = arith.constant 1 : i32
      %get3A_84 = arith.index_cast %get3A_83 : i32 to index
      %get3A_85 = arith.constant 16 : index
      %get3A_86 = tpu.vector_load %arg9[%get3A_84, %get3A_85] {strides = array<i32>} : memref<16x128xf32, #tpu.memory_space<vmem>>, vector<1x16xf32>,
      %get3A_87 = vector.shape_cast %get3A_86 : vector<1x16xf32> to vector<16xf32>
      %sub3A_88 = arith.subf %get3A_32, %get3A_87 : vector<16xf32>
      %mul3A_89 = arith.mulf %sub3A_82, %sub3A_82 : vector<16xf32>
      %mul3A_90 = arith.mulf %sub3A_88, %sub3A_88 : vector<16xf32>
      %add3A_91 = arith.addf %mul3A_89, %mul3A_90 : vector<16xf32>
      %xor3A_92 = arith.constant 1 : i32
      %xor3A_93 = vector.broadcast %xor3A_92 : i32 to vector<16xi32>
      %xor3A_94 = arith.xori %iota3A, %xor3A_93 : vector<16xi32>
      %broadcast_in_dim3A_95 = vector.shape_cast %xor3A_94 : vector<16xi32> to vector<16x1xi32>
      %gather3A_96 = vector.shape_cast %broadcast_in_dim3A_95 : vector<16x1xi32> to vector<16xi32>
      %gather3A_97 = tpu.dynamic_gather %add3A_91[%gather3A_96] in [0] : vector<16xf32>, vector<16xi32> -> vector<16xf32>
      %add3A_98 = arith.addf %add3A_91, %gather3A_97 : vector<16xf32>
      %xor3A_99 = arith.constant 2 : i32
      %xor3A_100 = vector.broadcast %xor3A_99 : i32 to vector<16xi32>
      %xor3A_101 = arith.xori %iota3A, %xor3A_100 : vector<16xi32>
      %broadcast_in_dim3A_102 = vector.shape_cast %xor3A_101 : vector<16xi32> to vector<16x1xi32>
      %gather3A_103 = vector.shape_cast %broadcast_in_dim3A_102 : vector<16x1xi32> to vector<16xi32>
      %gather3A_104 = tpu.dynamic_gather %add3A_98[%gather3A_103] in [0] : vector<16xf32>, vector<16xi32> -> vector<16xf32>
      %add3A_105 = arith.addf %add3A_98, %gather3A_104 : vector<16xf32>
      %xor3A_106 = arith.constant 4 : i32
      %xor3A_107 = vector.broadcast %xor3A_106 : i32 to vector<16xi32>
      %xor3A_108 = arith.xori %iota3A, %xor3A_107 : vector<16xi32>
      %broadcast_in_dim3A_109 = vector.shape_cast %xor3A_108 : vector<16xi32> to vector<16x1xi32>
      %gather3A_110 = vector.shape_cast %broadcast_in_dim3A_109 : vector<16x1xi32> to vector<16xi32>
      %gather3A_111 = tpu.dynamic_gather %add3A_105[%gather3A_110] in [0] : vector<16xf32>, vector<16xi32> -> vector<16xf32>
      %add3A_112 = arith.addf %add3A_105, %gather3A_111 : vector<16xf32>
      %xor3A_113 = arith.constant 8 : i32
      %xor3A_114 = vector.broadcast %xor3A_113 : i32 to vector<16xi32>
      %xor3A_115 = arith.xori %iota3A, %xor3A_114 : vector<16xi32>
      %broadcast_in_dim3A_116 = vector.shape_cast %xor3A_115 : vector<16xi32> to vector<16x1xi32>
      %gather3A_117 = vector.shape_cast %broadcast_in_dim3A_116 : vector<16x1xi32> to vector<16xi32>
      %gather3A_118 = tpu.dynamic_gather %add3A_112[%gather3A_117] in [0] : vector<16xf32>, vector<16xi32> -> vector<16xf32>
      %add3A_119 = arith.addf %add3A_112, %gather3A_118 : vector<16xf32>
      %eq3A_120 = arith.constant 1 : i32
      %eq3A_121 = vector.broadcast %eq3A_120 : i32 to vector<16xi32>
      %eq3A_122 = arith.cmpi eq, %iota3A, %eq3A_121 : vector<16xi32>
      %select_n3A_123 = arith.select %eq3A_122, %add3A_119, %select_n3A : vector<16xi1>, vector<16xf32>
      %get3A_124 = arith.constant 2 : i32
      %get3A_125 = arith.index_cast %get3A_124 : i32 to index
      %get3A_126 = arith.constant 0 : index
      %get3A_127 = tpu.vector_load %arg9[%get3A_125, %get3A_126] {strides = array<i32>} : memref<16x128xf32, #tpu.memory_space<vmem>>, vector<1x16xf32>,
      %get3A_128 = vector.shape_cast %get3A_127 : vector<1x16xf32> to vector<16xf32>
      %sub3A_129 = arith.subf %get3A_28, %get3A_128 : vector<16xf32>
      %get3A_130 = arith.constant 2 : i32
      %get3A_131 = arith.index_cast %get3A_130 : i32 to index
      %get3A_132 = arith.constant 16 : index
      %get3A_133 = tpu.vector_load %arg9[%get3A_131, %get3A_132] {strides = array<i32>} : memref<16x128xf32, #tpu.memory_space<vmem>>, vector<1x16xf32>,
      %get3A_134 = vector.shape_cast %get3A_133 : vector<1x16xf32> to vector<16xf32>
      %sub3A_135 = arith.subf %get3A_32, %get3A_134 : vector<16xf32>
      %mul3A_136 = arith.mulf %sub3A_129, %sub3A_129 : vector<16xf32>
      %mul3A_137 = arith.mulf %sub3A_135, %sub3A_135 : vector<16xf32>
      %add3A_138 = arith.addf %mul3A_136, %mul3A_137 : vector<16xf32>
      %xor3A_139 = arith.constant 1 : i32
      %xor3A_140 = vector.broadcast %xor3A_139 : i32 to vector<16xi32>
      %xor3A_141 = arith.xori %iota3A, %xor3A_140 : vector<16xi32>
      %broadcast_in_dim3A_142 = vector.shape_cast %xor3A_141 : vector<16xi32> to vector<16x1xi32>
      %gather3A_143 = vector.shape_cast %broadcast_in_dim3A_142 : vector<16x1xi32> to vector<16xi32>
      %gather3A_144 = tpu.dynamic_gather %add3A_138[%gather3A_143] in [0] : vector<16xf32>, vector<16xi32> -> vector<16xf32>
      %add3A_145 = arith.addf %add3A_138, %gather3A_144 : vector<16xf32>
      %xor3A_146 = arith.constant 2 : i32
      %xor3A_147 = vector.broadcast %xor3A_146 : i32 to vector<16xi32>
      %xor3A_148 = arith.xori %iota3A, %xor3A_147 : vector<16xi32>
      %broadcast_in_dim3A_149 = vector.shape_cast %xor3A_148 : vector<16xi32> to vector<16x1xi32>
      %gather3A_150 = vector.shape_cast %broadcast_in_dim3A_149 : vector<16x1xi32> to vector<16xi32>
      %gather3A_151 = tpu.dynamic_gather %add3A_145[%gather3A_150] in [0] : vector<16xf32>, vector<16xi32> -> vector<16xf32>
      %add3A_152 = arith.addf %add3A_145, %gather3A_151 : vector<16xf32>
      %xor3A_153 = arith.constant 4 : i32
      %xor3A_154 = vector.broadcast %xor3A_153 : i32 to vector<16xi32>
      %xor3A_155 = arith.xori %iota3A, %xor3A_154 : vector<16xi32>
      %broadcast_in_dim3A_156 = vector.shape_cast %xor3A_155 : vector<16xi32> to vector<16x1xi32>
      %gather3A_157 = vector.shape_cast %broadcast_in_dim3A_156 : vector<16x1xi32> to vector<16xi32>
      %gather3A_158 = tpu.dynamic_gather %add3A_152[%gather3A_157] in [0] : vector<16xf32>, vector<16xi32> -> vector<16xf32>
      %add3A_159 = arith.addf %add3A_152, %gather3A_158 : vector<16xf32>
      %xor3A_160 = arith.constant 8 : i32
      %xor3A_161 = vector.broadcast %xor3A_160 : i32 to vector<16xi32>
      %xor3A_162 = arith.xori %iota3A, %xor3A_161 : vector<16xi32>
      %broadcast_in_dim3A_163 = vector.shape_cast %xor3A_162 : vector<16xi32> to vector<16x1xi32>
      %gather3A_164 = vector.shape_cast %broadcast_in_dim3A_163 : vector<16x1xi32> to vector<16xi32>
      %gather3A_165 = tpu.dynamic_gather %add3A_159[%gather3A_164] in [0] : vector<16xf32>, vector<16xi32> -> vector<16xf32>
      %add3A_166 = arith.addf %add3A_159, %gather3A_165 : vector<16xf32>
      %eq3A_167 = arith.constant 2 : i32
      %eq3A_168 = vector.broadcast %eq3A_167 : i32 to vector<16xi32>
      %eq3A_169 = arith.cmpi eq, %iota3A, %eq3A_168 : vector<16xi32>
      %select_n3A_170 = arith.select %eq3A_169, %add3A_166, %select_n3A_123 : vector<16xi1>, vector<16xf32>
      %get3A_171 = arith.constant 3 : i32
      %get3A_172 = arith.index_cast %get3A_171 : i32 to index
      %get3A_173 = arith.constant 0 : index
      %get3A_174 = tpu.vector_load %arg9[%get3A_172, %get3A_173] {strides = array<i32>} : memref<16x128xf32, #tpu.memory_space<vmem>>, vector<1x16xf32>,
      %get3A_175 = vector.shape_cast %get3A_174 : vector<1x16xf32> to vector<16xf32>
      %sub3A_176 = arith.subf %get3A_28, %get3A_175 : vector<16xf32>
      %get3A_177 = arith.constant 3 : i32
      %get3A_178 = arith.index_cast %get3A_177 : i32 to index
      %get3A_179 = arith.constant 16 : index
      %get3A_180 = tpu.vector_load %arg9[%get3A_178, %get3A_179] {strides = array<i32>} : memref<16x128xf32, #tpu.memory_space<vmem>>, vector<1x16xf32>,
      %get3A_181 = vector.shape_cast %get3A_180 : vector<1x16xf32> to vector<16xf32>
      %sub3A_182 = arith.subf %get3A_32, %get3A_181 : vector<16xf32>
      %mul3A_183 = arith.mulf %sub3A_176, %sub3A_176 : vector<16xf32>
      %mul3A_184 = arith.mulf %sub3A_182, %sub3A_182 : vector<16xf32>
      %add3A_185 = arith.addf %mul3A_183, %mul3A_184 : vector<16xf32>
      %xor3A_186 = arith.constant 1 : i32
      %xor3A_187 = vector.broadcast %xor3A_186 : i32 to vector<16xi32>
      %xor3A_188 = arith.xori %iota3A, %xor3A_187 : vector<16xi32>
      %broadcast_in_dim3A_189 = vector.shape_cast %xor3A_188 : vector<16xi32> to vector<16x1xi32>
      %gather3A_190 = vector.shape_cast %broadcast_in_dim3A_189 : vector<16x1xi32> to vector<16xi32>
      %gather3A_191 = tpu.dynamic_gather %add3A_185[%gather3A_190] in [0] : vector<16xf32>, vector<16xi32> -> vector<16xf32>
      %add3A_192 = arith.addf %add3A_185, %gather3A_191 : vector<16xf32>
      %xor3A_193 = arith.constant 2 : i32
      %xor3A_194 = vector.broadcast %xor3A_193 : i32 to vector<16xi32>
      %xor3A_195 = arith.xori %iota3A, %xor3A_194 : vector<16xi32>
      %broadcast_in_dim3A_196 = vector.shape_cast %xor3A_195 : vector<16xi32> to vector<16x1xi32>
      %gather3A_197 = vector.shape_cast %broadcast_in_dim3A_196 : vector<16x1xi32> to vector<16xi32>
      %gather3A_198 = tpu.dynamic_gather %add3A_192[%gather3A_197] in [0] : vector<16xf32>, vector<16xi32> -> vector<16xf32>
      %add3A_199 = arith.addf %add3A_192, %gather3A_198 : vector<16xf32>
      %xor3A_200 = arith.constant 4 : i32
      %xor3A_201 = vector.broadcast %xor3A_200 : i32 to vector<16xi32>
      %xor3A_202 = arith.xori %iota3A, %xor3A_201 : vector<16xi32>
      %broadcast_in_dim3A_203 = vector.shape_cast %xor3A_202 : vector<16xi32> to vector<16x1xi32>
      %gather3A_204 = vector.shape_cast %broadcast_in_dim3A_203 : vector<16x1xi32> to vector<16xi32>
      %gather3A_205 = tpu.dynamic_gather %add3A_199[%gather3A_204] in [0] : vector<16xf32>, vector<16xi32> -> vector<16xf32>
      %add3A_206 = arith.addf %add3A_199, %gather3A_205 : vector<16xf32>
      %xor3A_207 = arith.constant 8 : i32
      %xor3A_208 = vector.broadcast %xor3A_207 : i32 to vector<16xi32>
      %xor3A_209 = arith.xori %iota3A, %xor3A_208 : vector<16xi32>
      %broadcast_in_dim3A_210 = vector.shape_cast %xor3A_209 : vector<16xi32> to vector<16x1xi32>
      %gather3A_211 = vector.shape_cast %broadcast_in_dim3A_210 : vector<16x1xi32> to vector<16xi32>
      %gather3A_212 = tpu.dynamic_gather %add3A_206[%gather3A_211] in [0] : vector<16xf32>, vector<16xi32> -> vector<16xf32>
      %add3A_213 = arith.addf %add3A_206, %gather3A_212 : vector<16xf32>
      %eq3A_214 = arith.constant 3 : i32
      %eq3A_215 = vector.broadcast %eq3A_214 : i32 to vector<16xi32>
      %eq3A_216 = arith.cmpi eq, %iota3A, %eq3A_215 : vector<16xi32>
      %select_n3A_217 = arith.select %eq3A_216, %add3A_213, %select_n3A_170 : vector<16xi1>, vector<16xf32>
      %get3A_218 = arith.constant 4 : i32
      %get3A_219 = arith.index_cast %get3A_218 : i32 to index
      %get3A_220 = arith.constant 0 : index
      %get3A_221 = tpu.vector_load %arg9[%get3A_219, %get3A_220] {strides = array<i32>} : memref<16x128xf32, #tpu.memory_space<vmem>>, vector<1x16xf32>,
      %get3A_222 = vector.shape_cast %get3A_221 : vector<1x16xf32> to vector<16xf32>
      %sub3A_223 = arith.subf %get3A_28, %get3A_222 : vector<16xf32>
      %get3A_224 = arith.constant 4 : i32
      %get3A_225 = arith.index_cast %get3A_224 : i32 to index
      %get3A_226 = arith.constant 16 : index
      %get3A_227 = tpu.vector_load %arg9[%get3A_225, %get3A_226] {strides = array<i32>} : memref<16x128xf32, #tpu.memory_space<vmem>>, vector<1x16xf32>,
      %get3A_228 = vector.shape_cast %get3A_227 : vector<1x16xf32> to vector<16xf32>
      %sub3A_229 = arith.subf %get3A_32, %get3A_228 : vector<16xf32>
      %mul3A_230 = arith.mulf %sub3A_223, %sub3A_223 : vector<16xf32>
      %mul3A_231 = arith.mulf %sub3A_229, %sub3A_229 : vector<16xf32>
      %add3A_232 = arith.addf %mul3A_230, %mul3A_231 : vector<16xf32>
      %xor3A_233 = arith.constant 1 : i32
      %xor3A_234 = vector.broadcast %xor3A_233 : i32 to vector<16xi32>
      %xor3A_235 = arith.xori %iota3A, %xor3A_234 : vector<16xi32>
      %broadcast_in_dim3A_236 = vector.shape_cast %xor3A_235 : vector<16xi32> to vector<16x1xi32>
      %gather3A_237 = vector.shape_cast %broadcast_in_dim3A_236 : vector<16x1xi32> to vector<16xi32>
      %gather3A_238 = tpu.dynamic_gather %add3A_232[%gather3A_237] in [0] : vector<16xf32>, vector<16xi32> -> vector<16xf32>
      %add3A_239 = arith.addf %add3A_232, %gather3A_238 : vector<16xf32>
      %xor3A_240 = arith.constant 2 : i32
      %xor3A_241 = vector.broadcast %xor3A_240 : i32 to vector<16xi32>
      %xor3A_242 = arith.xori %iota3A, %xor3A_241 : vector<16xi32>
      %broadcast_in_dim3A_243 = vector.shape_cast %xor3A_242 : vector<16xi32> to vector<16x1xi32>
      %gather3A_244 = vector.shape_cast %broadcast_in_dim3A_243 : vector<16x1xi32> to vector<16xi32>
      %gather3A_245 = tpu.dynamic_gather %add3A_239[%gather3A_244] in [0] : vector<16xf32>, vector<16xi32> -> vector<16xf32>
      %add3A_246 = arith.addf %add3A_239, %gather3A_245 : vector<16xf32>
      %xor3A_247 = arith.constant 4 : i32
      %xor3A_248 = vector.broadcast %xor3A_247 : i32 to vector<16xi32>
      %xor3A_249 = arith.xori %iota3A, %xor3A_248 : vector<16xi32>
      %broadcast_in_dim3A_250 = vector.shape_cast %xor3A_249 : vector<16xi32> to vector<16x1xi32>
      %gather3A_251 = vector.shape_cast %broadcast_in_dim3A_250 : vector<16x1xi32> to vector<16xi32>
      %gather3A_252 = tpu.dynamic_gather %add3A_246[%gather3A_251] in [0] : vector<16xf32>, vector<16xi32> -> vector<16xf32>
      %add3A_253 = arith.addf %add3A_246, %gather3A_252 : vector<16xf32>
      %xor3A_254 = arith.constant 8 : i32
      %xor3A_255 = vector.broadcast %xor3A_254 : i32 to vector<16xi32>
      %xor3A_256 = arith.xori %iota3A, %xor3A_255 : vector<16xi32>
      %broadcast_in_dim3A_257 = vector.shape_cast %xor3A_256 : vector<16xi32> to vector<16x1xi32>
      %gather3A_258 = vector.shape_cast %broadcast_in_dim3A_257 : vector<16x1xi32> to vector<16xi32>
      %gather3A_259 = tpu.dynamic_gather %add3A_253[%gather3A_258] in [0] : vector<16xf32>, vector<16xi32> -> vector<16xf32>
      %add3A_260 = arith.addf %add3A_253, %gather3A_259 : vector<16xf32>
      %eq3A_261 = arith.constant 4 : i32
      %eq3A_262 = vector.broadcast %eq3A_261 : i32 to vector<16xi32>
      %eq3A_263 = arith.cmpi eq, %iota3A, %eq3A_262 : vector<16xi32>
      %select_n3A_264 = arith.select %eq3A_263, %add3A_260, %select_n3A_217 : vector<16xi1>, vector<16xf32>
      %get3A_265 = arith.constant 5 : i32
      %get3A_266 = arith.index_cast %get3A_265 : i32 to index
      %get3A_267 = arith.constant 0 : index
      %get3A_268 = tpu.vector_load %arg9[%get3A_266, %get3A_267] {strides = array<i32>} : memref<16x128xf32, #tpu.memory_space<vmem>>, vector<1x16xf32>,
      %get3A_269 = vector.shape_cast %get3A_268 : vector<1x16xf32> to vector<16xf32>
      %sub3A_270 = arith.subf %get3A_28, %get3A_269 : vector<16xf32>
      %get3A_271 = arith.constant 5 : i32
      %get3A_272 = arith.index_cast %get3A_271 : i32 to index
      %get3A_273 = arith.constant 16 : index
      %get3A_274 = tpu.vector_load %arg9[%get3A_272, %get3A_273] {strides = array<i32>} : memref<16x128xf32, #tpu.memory_space<vmem>>, vector<1x16xf32>,
      %get3A_275 = vector.shape_cast %get3A_274 : vector<1x16xf32> to vector<16xf32>
      %sub3A_276 = arith.subf %get3A_32, %get3A_275 : vector<16xf32>
      %mul3A_277 = arith.mulf %sub3A_270, %sub3A_270 : vector<16xf32>
      %mul3A_278 = arith.mulf %sub3A_276, %sub3A_276 : vector<16xf32>
      %add3A_279 = arith.addf %mul3A_277, %mul3A_278 : vector<16xf32>
      %xor3A_280 = arith.constant 1 : i32
      %xor3A_281 = vector.broadcast %xor3A_280 : i32 to vector<16xi32>
      %xor3A_282 = arith.xori %iota3A, %xor3A_281 : vector<16xi32>
      %broadcast_in_dim3A_283 = vector.shape_cast %xor3A_282 : vector<16xi32> to vector<16x1xi32>
      %gather3A_284 = vector.shape_cast %broadcast_in_dim3A_283 : vector<16x1xi32> to vector<16xi32>
      %gather3A_285 = tpu.dynamic_gather %add3A_279[%gather3A_284] in [0] : vector<16xf32>, vector<16xi32> -> vector<16xf32>
      %add3A_286 = arith.addf %add3A_279, %gather3A_285 : vector<16xf32>
      %xor3A_287 = arith.constant 2 : i32
      %xor3A_288 = vector.broadcast %xor3A_287 : i32 to vector<16xi32>
      %xor3A_289 = arith.xori %iota3A, %xor3A_288 : vector<16xi32>
      %broadcast_in_dim3A_290 = vector.shape_cast %xor3A_289 : vector<16xi32> to vector<16x1xi32>
      %gather3A_291 = vector.shape_cast %broadcast_in_dim3A_290 : vector<16x1xi32> to vector<16xi32>
      %gather3A_292 = tpu.dynamic_gather %add3A_286[%gather3A_291] in [0] : vector<16xf32>, vector<16xi32> -> vector<16xf32>
      %add3A_293 = arith.addf %add3A_286, %gather3A_292 : vector<16xf32>
      %xor3A_294 = arith.constant 4 : i32
      %xor3A_295 = vector.broadcast %xor3A_294 : i32 to vector<16xi32>
      %xor3A_296 = arith.xori %iota3A, %xor3A_295 : vector<16xi32>
      %broadcast_in_dim3A_297 = vector.shape_cast %xor3A_296 : vector<16xi32> to vector<16x1xi32>
      %gather3A_298 = vector.shape_cast %broadcast_in_dim3A_297 : vector<16x1xi32> to vector<16xi32>
      %gather3A_299 = tpu.dynamic_gather %add3A_293[%gather3A_298] in [0] : vector<16xf32>, vector<16xi32> -> vector<16xf32>
      %add3A_300 = arith.addf %add3A_293, %gather3A_299 : vector<16xf32>
      %xor3A_301 = arith.constant 8 : i32
      %xor3A_302 = vector.broadcast %xor3A_301 : i32 to vector<16xi32>
      %xor3A_303 = arith.xori %iota3A, %xor3A_302 : vector<16xi32>
      %broadcast_in_dim3A_304 = vector.shape_cast %xor3A_303 : vector<16xi32> to vector<16x1xi32>
      %gather3A_305 = vector.shape_cast %broadcast_in_dim3A_304 : vector<16x1xi32> to vector<16xi32>
      %gather3A_306 = tpu.dynamic_gather %add3A_300[%gather3A_305] in [0] : vector<16xf32>, vector<16xi32> -> vector<16xf32>
      %add3A_307 = arith.addf %add3A_300, %gather3A_306 : vector<16xf32>
      %eq3A_308 = arith.constant 5 : i32
      %eq3A_309 = vector.broadcast %eq3A_308 : i32 to vector<16xi32>
      %eq3A_310 = arith.cmpi eq, %iota3A, %eq3A_309 : vector<16xi32>
      %select_n3A_311 = arith.select %eq3A_310, %add3A_307, %select_n3A_264 : vector<16xi1>, vector<16xf32>
      %get3A_312 = arith.constant 6 : i32
      %get3A_313 = arith.index_cast %get3A_312 : i32 to index
      %get3A_314 = arith.constant 0 : index
      %get3A_315 = tpu.vector_load %arg9[%get3A_313, %get3A_314] {strides = array<i32>} : memref<16x128xf32, #tpu.memory_space<vmem>>, vector<1x16xf32>,
      %get3A_316 = vector.shape_cast %get3A_315 : vector<1x16xf32> to vector<16xf32>
      %sub3A_317 = arith.subf %get3A_28, %get3A_316 : vector<16xf32>
      %get3A_318 = arith.constant 6 : i32
      %get3A_319 = arith.index_cast %get3A_318 : i32 to index
      %get3A_320 = arith.constant 16 : index
      %get3A_321 = tpu.vector_load %arg9[%get3A_319, %get3A_320] {strides = array<i32>} : memref<16x128xf32, #tpu.memory_space<vmem>>, vector<1x16xf32>,
      %get3A_322 = vector.shape_cast %get3A_321 : vector<1x16xf32> to vector<16xf32>
      %sub3A_323 = arith.subf %get3A_32, %get3A_322 : vector<16xf32>
      %mul3A_324 = arith.mulf %sub3A_317, %sub3A_317 : vector<16xf32>
      %mul3A_325 = arith.mulf %sub3A_323, %sub3A_323 : vector<16xf32>
      %add3A_326 = arith.addf %mul3A_324, %mul3A_325 : vector<16xf32>
      %xor3A_327 = arith.constant 1 : i32
      %xor3A_328 = vector.broadcast %xor3A_327 : i32 to vector<16xi32>
      %xor3A_329 = arith.xori %iota3A, %xor3A_328 : vector<16xi32>
      %broadcast_in_dim3A_330 = vector.shape_cast %xor3A_329 : vector<16xi32> to vector<16x1xi32>
      %gather3A_331 = vector.shape_cast %broadcast_in_dim3A_330 : vector<16x1xi32> to vector<16xi32>
      %gather3A_332 = tpu.dynamic_gather %add3A_326[%gather3A_331] in [0] : vector<16xf32>, vector<16xi32> -> vector<16xf32>
      %add3A_333 = arith.addf %add3A_326, %gather3A_332 : vector<16xf32>
      %xor3A_334 = arith.constant 2 : i32
      %xor3A_335 = vector.broadcast %xor3A_334 : i32 to vector<16xi32>
      %xor3A_336 = arith.xori %iota3A, %xor3A_335 : vector<16xi32>
      %broadcast_in_dim3A_337 = vector.shape_cast %xor3A_336 : vector<16xi32> to vector<16x1xi32>
      %gather3A_338 = vector.shape_cast %broadcast_in_dim3A_337 : vector<16x1xi32> to vector<16xi32>
      %gather3A_339 = tpu.dynamic_gather %add3A_333[%gather3A_338] in [0] : vector<16xf32>, vector<16xi32> -> vector<16xf32>
      %add3A_340 = arith.addf %add3A_333, %gather3A_339 : vector<16xf32>
      %xor3A_341 = arith.constant 4 : i32
      %xor3A_342 = vector.broadcast %xor3A_341 : i32 to vector<16xi32>
      %xor3A_343 = arith.xori %iota3A, %xor3A_342 : vector<16xi32>
      %broadcast_in_dim3A_344 = vector.shape_cast %xor3A_343 : vector<16xi32> to vector<16x1xi32>
      %gather3A_345 = vector.shape_cast %broadcast_in_dim3A_344 : vector<16x1xi32> to vector<16xi32>
      %gather3A_346 = tpu.dynamic_gather %add3A_340[%gather3A_345] in [0] : vector<16xf32>, vector<16xi32> -> vector<16xf32>
      %add3A_347 = arith.addf %add3A_340, %gather3A_346 : vector<16xf32>
      %xor3A_348 = arith.constant 8 : i32
      %xor3A_349 = vector.broadcast %xor3A_348 : i32 to vector<16xi32>
      %xor3A_350 = arith.xori %iota3A, %xor3A_349 : vector<16xi32>
      %broadcast_in_dim3A_351 = vector.shape_cast %xor3A_350 : vector<16xi32> to vector<16x1xi32>
      %gather3A_352 = vector.shape_cast %broadcast_in_dim3A_351 : vector<16x1xi32> to vector<16xi32>
      %gather3A_353 = tpu.dynamic_gather %add3A_347[%gather3A_352] in [0] : vector<16xf32>, vector<16xi32> -> vector<16xf32>
      %add3A_354 = arith.addf %add3A_347, %gather3A_353 : vector<16xf32>
      %eq3A_355 = arith.constant 6 : i32
      %eq3A_356 = vector.broadcast %eq3A_355 : i32 to vector<16xi32>
      %eq3A_357 = arith.cmpi eq, %iota3A, %eq3A_356 : vector<16xi32>
      %select_n3A_358 = arith.select %eq3A_357, %add3A_354, %select_n3A_311 : vector<16xi1>, vector<16xf32>
      %get3A_359 = arith.constant 7 : i32
      %get3A_360 = arith.index_cast %get3A_359 : i32 to index
      %get3A_361 = arith.constant 0 : index
      %get3A_362 = tpu.vector_load %arg9[%get3A_360, %get3A_361] {strides = array<i32>} : memref<16x128xf32, #tpu.memory_space<vmem>>, vector<1x16xf32>,
      %get3A_363 = vector.shape_cast %get3A_362 : vector<1x16xf32> to vector<16xf32>
      %sub3A_364 = arith.subf %get3A_28, %get3A_363 : vector<16xf32>
      %get3A_365 = arith.constant 7 : i32
      %get3A_366 = arith.index_cast %get3A_365 : i32 to index
      %get3A_367 = arith.constant 16 : index
      %get3A_368 = tpu.vector_load %arg9[%get3A_366, %get3A_367] {strides = array<i32>} : memref<16x128xf32, #tpu.memory_space<vmem>>, vector<1x16xf32>,
      %get3A_369 = vector.shape_cast %get3A_368 : vector<1x16xf32> to vector<16xf32>
      %sub3A_370 = arith.subf %get3A_32, %get3A_369 : vector<16xf32>
      %mul3A_371 = arith.mulf %sub3A_364, %sub3A_364 : vector<16xf32>
      %mul3A_372 = arith.mulf %sub3A_370, %sub3A_370 : vector<16xf32>
      %add3A_373 = arith.addf %mul3A_371, %mul3A_372 : vector<16xf32>
      %xor3A_374 = arith.constant 1 : i32
      %xor3A_375 = vector.broadcast %xor3A_374 : i32 to vector<16xi32>
      %xor3A_376 = arith.xori %iota3A, %xor3A_375 : vector<16xi32>
      %broadcast_in_dim3A_377 = vector.shape_cast %xor3A_376 : vector<16xi32> to vector<16x1xi32>
      %gather3A_378 = vector.shape_cast %broadcast_in_dim3A_377 : vector<16x1xi32> to vector<16xi32>
      %gather3A_379 = tpu.dynamic_gather %add3A_373[%gather3A_378] in [0] : vector<16xf32>, vector<16xi32> -> vector<16xf32>
      %add3A_380 = arith.addf %add3A_373, %gather3A_379 : vector<16xf32>
      %xor3A_381 = arith.constant 2 : i32
      %xor3A_382 = vector.broadcast %xor3A_381 : i32 to vector<16xi32>
      %xor3A_383 = arith.xori %iota3A, %xor3A_382 : vector<16xi32>
      %broadcast_in_dim3A_384 = vector.shape_cast %xor3A_383 : vector<16xi32> to vector<16x1xi32>
      %gather3A_385 = vector.shape_cast %broadcast_in_dim3A_384 : vector<16x1xi32> to vector<16xi32>
      %gather3A_386 = tpu.dynamic_gather %add3A_380[%gather3A_385] in [0] : vector<16xf32>, vector<16xi32> -> vector<16xf32>
      %add3A_387 = arith.addf %add3A_380, %gather3A_386 : vector<16xf32>
      %xor3A_388 = arith.constant 4 : i32
      %xor3A_389 = vector.broadcast %xor3A_388 : i32 to vector<16xi32>
      %xor3A_390 = arith.xori %iota3A, %xor3A_389 : vector<16xi32>
      %broadcast_in_dim3A_391 = vector.shape_cast %xor3A_390 : vector<16xi32> to vector<16x1xi32>
      %gather3A_392 = vector.shape_cast %broadcast_in_dim3A_391 : vector<16x1xi32> to vector<16xi32>
      %gather3A_393 = tpu.dynamic_gather %add3A_387[%gather3A_392] in [0] : vector<16xf32>, vector<16xi32> -> vector<16xf32>
      %add3A_394 = arith.addf %add3A_387, %gather3A_393 : vector<16xf32>
      %xor3A_395 = arith.constant 8 : i32
      %xor3A_396 = vector.broadcast %xor3A_395 : i32 to vector<16xi32>
      %xor3A_397 = arith.xori %iota3A, %xor3A_396 : vector<16xi32>
      %broadcast_in_dim3A_398 = vector.shape_cast %xor3A_397 : vector<16xi32> to vector<16x1xi32>
      %gather3A_399 = vector.shape_cast %broadcast_in_dim3A_398 : vector<16x1xi32> to vector<16xi32>
      %gather3A_400 = tpu.dynamic_gather %add3A_394[%gather3A_399] in [0] : vector<16xf32>, vector<16xi32> -> vector<16xf32>
      %add3A_401 = arith.addf %add3A_394, %gather3A_400 : vector<16xf32>
      %eq3A_402 = arith.constant 7 : i32
      %eq3A_403 = vector.broadcast %eq3A_402 : i32 to vector<16xi32>
      %eq3A_404 = arith.cmpi eq, %iota3A, %eq3A_403 : vector<16xi32>
      %select_n3A_405 = arith.select %eq3A_404, %add3A_401, %select_n3A_358 : vector<16xi1>, vector<16xf32>
      %get3A_406 = arith.constant 8 : i32
      %get3A_407 = arith.index_cast %get3A_406 : i32 to index
      %get3A_408 = arith.constant 0 : index
      %get3A_409 = tpu.vector_load %arg9[%get3A_407, %get3A_408] {strides = array<i32>} : memref<16x128xf32, #tpu.memory_space<vmem>>, vector<1x16xf32>,
      %get3A_410 = vector.shape_cast %get3A_409 : vector<1x16xf32> to vector<16xf32>
      %sub3A_411 = arith.subf %get3A_28, %get3A_410 : vector<16xf32>
      %get3A_412 = arith.constant 8 : i32
      %get3A_413 = arith.index_cast %get3A_412 : i32 to index
      %get3A_414 = arith.constant 16 : index
      %get3A_415 = tpu.vector_load %arg9[%get3A_413, %get3A_414] {strides = array<i32>} : memref<16x128xf32, #tpu.memory_space<vmem>>, vector<1x16xf32>,
      %get3A_416 = vector.shape_cast %get3A_415 : vector<1x16xf32> to vector<16xf32>
      %sub3A_417 = arith.subf %get3A_32, %get3A_416 : vector<16xf32>
      %mul3A_418 = arith.mulf %sub3A_411, %sub3A_411 : vector<16xf32>
      %mul3A_419 = arith.mulf %sub3A_417, %sub3A_417 : vector<16xf32>
      %add3A_420 = arith.addf %mul3A_418, %mul3A_419 : vector<16xf32>
      %xor3A_421 = arith.constant 1 : i32
      %xor3A_422 = vector.broadcast %xor3A_421 : i32 to vector<16xi32>
      %xor3A_423 = arith.xori %iota3A, %xor3A_422 : vector<16xi32>
      %broadcast_in_dim3A_424 = vector.shape_cast %xor3A_423 : vector<16xi32> to vector<16x1xi32>
      %gather3A_425 = vector.shape_cast %broadcast_in_dim3A_424 : vector<16x1xi32> to vector<16xi32>
      %gather3A_426 = tpu.dynamic_gather %add3A_420[%gather3A_425] in [0] : vector<16xf32>, vector<16xi32> -> vector<16xf32>
      %add3A_427 = arith.addf %add3A_420, %gather3A_426 : vector<16xf32>
      %xor3A_428 = arith.constant 2 : i32
      %xor3A_429 = vector.broadcast %xor3A_428 : i32 to vector<16xi32>
      %xor3A_430 = arith.xori %iota3A, %xor3A_429 : vector<16xi32>
      %broadcast_in_dim3A_431 = vector.shape_cast %xor3A_430 : vector<16xi32> to vector<16x1xi32>
      %gather3A_432 = vector.shape_cast %broadcast_in_dim3A_431 : vector<16x1xi32> to vector<16xi32>
      %gather3A_433 = tpu.dynamic_gather %add3A_427[%gather3A_432] in [0] : vector<16xf32>, vector<16xi32> -> vector<16xf32>
      %add3A_434 = arith.addf %add3A_427, %gather3A_433 : vector<16xf32>
      %xor3A_435 = arith.constant 4 : i32
      %xor3A_436 = vector.broadcast %xor3A_435 : i32 to vector<16xi32>
      %xor3A_437 = arith.xori %iota3A, %xor3A_436 : vector<16xi32>
      %broadcast_in_dim3A_438 = vector.shape_cast %xor3A_437 : vector<16xi32> to vector<16x1xi32>
      %gather3A_439 = vector.shape_cast %broadcast_in_dim3A_438 : vector<16x1xi32> to vector<16xi32>
      %gather3A_440 = tpu.dynamic_gather %add3A_434[%gather3A_439] in [0] : vector<16xf32>, vector<16xi32> -> vector<16xf32>
      %add3A_441 = arith.addf %add3A_434, %gather3A_440 : vector<16xf32>
      %xor3A_442 = arith.constant 8 : i32
      %xor3A_443 = vector.broadcast %xor3A_442 : i32 to vector<16xi32>
      %xor3A_444 = arith.xori %iota3A, %xor3A_443 : vector<16xi32>
      %broadcast_in_dim3A_445 = vector.shape_cast %xor3A_444 : vector<16xi32> to vector<16x1xi32>
      %gather3A_446 = vector.shape_cast %broadcast_in_dim3A_445 : vector<16x1xi32> to vector<16xi32>
      %gather3A_447 = tpu.dynamic_gather %add3A_441[%gather3A_446] in [0] : vector<16xf32>, vector<16xi32> -> vector<16xf32>
      %add3A_448 = arith.addf %add3A_441, %gather3A_447 : vector<16xf32>
      %eq3A_449 = arith.constant 8 : i32
      %eq3A_450 = vector.broadcast %eq3A_449 : i32 to vector<16xi32>
      %eq3A_451 = arith.cmpi eq, %iota3A, %eq3A_450 : vector<16xi32>
      %select_n3A_452 = arith.select %eq3A_451, %add3A_448, %select_n3A_405 : vector<16xi1>, vector<16xf32>
      %get3A_453 = arith.constant 9 : i32
      %get3A_454 = arith.index_cast %get3A_453 : i32 to index
      %get3A_455 = arith.constant 0 : index
      %get3A_456 = tpu.vector_load %arg9[%get3A_454, %get3A_455] {strides = array<i32>} : memref<16x128xf32, #tpu.memory_space<vmem>>, vector<1x16xf32>,
      %get3A_457 = vector.shape_cast %get3A_456 : vector<1x16xf32> to vector<16xf32>
      %sub3A_458 = arith.subf %get3A_28, %get3A_457 : vector<16xf32>
      %get3A_459 = arith.constant 9 : i32
      %get3A_460 = arith.index_cast %get3A_459 : i32 to index
      %get3A_461 = arith.constant 16 : index
      %get3A_462 = tpu.vector_load %arg9[%get3A_460, %get3A_461] {strides = array<i32>} : memref<16x128xf32, #tpu.memory_space<vmem>>, vector<1x16xf32>,
      %get3A_463 = vector.shape_cast %get3A_462 : vector<1x16xf32> to vector<16xf32>
      %sub3A_464 = arith.subf %get3A_32, %get3A_463 : vector<16xf32>
      %mul3A_465 = arith.mulf %sub3A_458, %sub3A_458 : vector<16xf32>
      %mul3A_466 = arith.mulf %sub3A_464, %sub3A_464 : vector<16xf32>
      %add3A_467 = arith.addf %mul3A_465, %mul3A_466 : vector<16xf32>
      %xor3A_468 = arith.constant 1 : i32
      %xor3A_469 = vector.broadcast %xor3A_468 : i32 to vector<16xi32>
      %xor3A_470 = arith.xori %iota3A, %xor3A_469 : vector<16xi32>
      %broadcast_in_dim3A_471 = vector.shape_cast %xor3A_470 : vector<16xi32> to vector<16x1xi32>
      %gather3A_472 = vector.shape_cast %broadcast_in_dim3A_471 : vector<16x1xi32> to vector<16xi32>
      %gather3A_473 = tpu.dynamic_gather %add3A_467[%gather3A_472] in [0] : vector<16xf32>, vector<16xi32> -> vector<16xf32>
      %add3A_474 = arith.addf %add3A_467, %gather3A_473 : vector<16xf32>
      %xor3A_475 = arith.constant 2 : i32
      %xor3A_476 = vector.broadcast %xor3A_475 : i32 to vector<16xi32>
      %xor3A_477 = arith.xori %iota3A, %xor3A_476 : vector<16xi32>
      %broadcast_in_dim3A_478 = vector.shape_cast %xor3A_477 : vector<16xi32> to vector<16x1xi32>
      %gather3A_479 = vector.shape_cast %broadcast_in_dim3A_478 : vector<16x1xi32> to vector<16xi32>
      %gather3A_480 = tpu.dynamic_gather %add3A_474[%gather3A_479] in [0] : vector<16xf32>, vector<16xi32> -> vector<16xf32>
      %add3A_481 = arith.addf %add3A_474, %gather3A_480 : vector<16xf32>
      %xor3A_482 = arith.constant 4 : i32
      %xor3A_483 = vector.broadcast %xor3A_482 : i32 to vector<16xi32>
      %xor3A_484 = arith.xori %iota3A, %xor3A_483 : vector<16xi32>
      %broadcast_in_dim3A_485 = vector.shape_cast %xor3A_484 : vector<16xi32> to vector<16x1xi32>
      %gather3A_486 = vector.shape_cast %broadcast_in_dim3A_485 : vector<16x1xi32> to vector<16xi32>
      %gather3A_487 = tpu.dynamic_gather %add3A_481[%gather3A_486] in [0] : vector<16xf32>, vector<16xi32> -> vector<16xf32>
      %add3A_488 = arith.addf %add3A_481, %gather3A_487 : vector<16xf32>
      %xor3A_489 = arith.constant 8 : i32
      %xor3A_490 = vector.broadcast %xor3A_489 : i32 to vector<16xi32>
      %xor3A_491 = arith.xori %iota3A, %xor3A_490 : vector<16xi32>
      %broadcast_in_dim3A_492 = vector.shape_cast %xor3A_491 : vector<16xi32> to vector<16x1xi32>
      %gather3A_493 = vector.shape_cast %broadcast_in_dim3A_492 : vector<16x1xi32> to vector<16xi32>
      %gather3A_494 = tpu.dynamic_gather %add3A_488[%gather3A_493] in [0] : vector<16xf32>, vector<16xi32> -> vector<16xf32>
      %add3A_495 = arith.addf %add3A_488, %gather3A_494 : vector<16xf32>
      %eq3A_496 = arith.constant 9 : i32
      %eq3A_497 = vector.broadcast %eq3A_496 : i32 to vector<16xi32>
      %eq3A_498 = arith.cmpi eq, %iota3A, %eq3A_497 : vector<16xi32>
      %select_n3A_499 = arith.select %eq3A_498, %add3A_495, %select_n3A_452 : vector<16xi1>, vector<16xf32>
      %get3A_500 = arith.constant 10 : i32
      %get3A_501 = arith.index_cast %get3A_500 : i32 to index
      %get3A_502 = arith.constant 0 : index
      %get3A_503 = tpu.vector_load %arg9[%get3A_501, %get3A_502] {strides = array<i32>} : memref<16x128xf32, #tpu.memory_space<vmem>>, vector<1x16xf32>,
      %get3A_504 = vector.shape_cast %get3A_503 : vector<1x16xf32> to vector<16xf32>
      %sub3A_505 = arith.subf %get3A_28, %get3A_504 : vector<16xf32>
      %get3A_506 = arith.constant 10 : i32
      %get3A_507 = arith.index_cast %get3A_506 : i32 to index
      %get3A_508 = arith.constant 16 : index
      %get3A_509 = tpu.vector_load %arg9[%get3A_507, %get3A_508] {strides = array<i32>} : memref<16x128xf32, #tpu.memory_space<vmem>>, vector<1x16xf32>,
      %get3A_510 = vector.shape_cast %get3A_509 : vector<1x16xf32> to vector<16xf32>
      %sub3A_511 = arith.subf %get3A_32, %get3A_510 : vector<16xf32>
      %mul3A_512 = arith.mulf %sub3A_505, %sub3A_505 : vector<16xf32>
      %mul3A_513 = arith.mulf %sub3A_511, %sub3A_511 : vector<16xf32>
      %add3A_514 = arith.addf %mul3A_512, %mul3A_513 : vector<16xf32>
      %xor3A_515 = arith.constant 1 : i32
      %xor3A_516 = vector.broadcast %xor3A_515 : i32 to vector<16xi32>
      %xor3A_517 = arith.xori %iota3A, %xor3A_516 : vector<16xi32>
      %broadcast_in_dim3A_518 = vector.shape_cast %xor3A_517 : vector<16xi32> to vector<16x1xi32>
      %gather3A_519 = vector.shape_cast %broadcast_in_dim3A_518 : vector<16x1xi32> to vector<16xi32>
      %gather3A_520 = tpu.dynamic_gather %add3A_514[%gather3A_519] in [0] : vector<16xf32>, vector<16xi32> -> vector<16xf32>
      %add3A_521 = arith.addf %add3A_514, %gather3A_520 : vector<16xf32>
      %xor3A_522 = arith.constant 2 : i32
      %xor3A_523 = vector.broadcast %xor3A_522 : i32 to vector<16xi32>
      %xor3A_524 = arith.xori %iota3A, %xor3A_523 : vector<16xi32>
      %broadcast_in_dim3A_525 = vector.shape_cast %xor3A_524 : vector<16xi32> to vector<16x1xi32>
      %gather3A_526 = vector.shape_cast %broadcast_in_dim3A_525 : vector<16x1xi32> to vector<16xi32>
      %gather3A_527 = tpu.dynamic_gather %add3A_521[%gather3A_526] in [0] : vector<16xf32>, vector<16xi32> -> vector<16xf32>
      %add3A_528 = arith.addf %add3A_521, %gather3A_527 : vector<16xf32>
      %xor3A_529 = arith.constant 4 : i32
      %xor3A_530 = vector.broadcast %xor3A_529 : i32 to vector<16xi32>
      %xor3A_531 = arith.xori %iota3A, %xor3A_530 : vector<16xi32>
      %broadcast_in_dim3A_532 = vector.shape_cast %xor3A_531 : vector<16xi32> to vector<16x1xi32>
      %gather3A_533 = vector.shape_cast %broadcast_in_dim3A_532 : vector<16x1xi32> to vector<16xi32>
      %gather3A_534 = tpu.dynamic_gather %add3A_528[%gather3A_533] in [0] : vector<16xf32>, vector<16xi32> -> vector<16xf32>
      %add3A_535 = arith.addf %add3A_528, %gather3A_534 : vector<16xf32>
      %xor3A_536 = arith.constant 8 : i32
      %xor3A_537 = vector.broadcast %xor3A_536 : i32 to vector<16xi32>
      %xor3A_538 = arith.xori %iota3A, %xor3A_537 : vector<16xi32>
      %broadcast_in_dim3A_539 = vector.shape_cast %xor3A_538 : vector<16xi32> to vector<16x1xi32>
      %gather3A_540 = vector.shape_cast %broadcast_in_dim3A_539 : vector<16x1xi32> to vector<16xi32>
      %gather3A_541 = tpu.dynamic_gather %add3A_535[%gather3A_540] in [0] : vector<16xf32>, vector<16xi32> -> vector<16xf32>
      %add3A_542 = arith.addf %add3A_535, %gather3A_541 : vector<16xf32>
      %eq3A_543 = arith.constant 10 : i32
      %eq3A_544 = vector.broadcast %eq3A_543 : i32 to vector<16xi32>
      %eq3A_545 = arith.cmpi eq, %iota3A, %eq3A_544 : vector<16xi32>
      %select_n3A_546 = arith.select %eq3A_545, %add3A_542, %select_n3A_499 : vector<16xi1>, vector<16xf32>
      %get3A_547 = arith.constant 11 : i32
      %get3A_548 = arith.index_cast %get3A_547 : i32 to index
      %get3A_549 = arith.constant 0 : index
      %get3A_550 = tpu.vector_load %arg9[%get3A_548, %get3A_549] {strides = array<i32>} : memref<16x128xf32, #tpu.memory_space<vmem>>, vector<1x16xf32>,
      %get3A_551 = vector.shape_cast %get3A_550 : vector<1x16xf32> to vector<16xf32>
      %sub3A_552 = arith.subf %get3A_28, %get3A_551 : vector<16xf32>
      %get3A_553 = arith.constant 11 : i32
      %get3A_554 = arith.index_cast %get3A_553 : i32 to index
      %get3A_555 = arith.constant 16 : index
      %get3A_556 = tpu.vector_load %arg9[%get3A_554, %get3A_555] {strides = array<i32>} : memref<16x128xf32, #tpu.memory_space<vmem>>, vector<1x16xf32>,
      %get3A_557 = vector.shape_cast %get3A_556 : vector<1x16xf32> to vector<16xf32>
      %sub3A_558 = arith.subf %get3A_32, %get3A_557 : vector<16xf32>
      %mul3A_559 = arith.mulf %sub3A_552, %sub3A_552 : vector<16xf32>
      %mul3A_560 = arith.mulf %sub3A_558, %sub3A_558 : vector<16xf32>
      %add3A_561 = arith.addf %mul3A_559, %mul3A_560 : vector<16xf32>
      %xor3A_562 = arith.constant 1 : i32
      %xor3A_563 = vector.broadcast %xor3A_562 : i32 to vector<16xi32>
      %xor3A_564 = arith.xori %iota3A, %xor3A_563 : vector<16xi32>
      %broadcast_in_dim3A_565 = vector.shape_cast %xor3A_564 : vector<16xi32> to vector<16x1xi32>
      %gather3A_566 = vector.shape_cast %broadcast_in_dim3A_565 : vector<16x1xi32> to vector<16xi32>
      %gather3A_567 = tpu.dynamic_gather %add3A_561[%gather3A_566] in [0] : vector<16xf32>, vector<16xi32> -> vector<16xf32>
      %add3A_568 = arith.addf %add3A_561, %gather3A_567 : vector<16xf32>
      %xor3A_569 = arith.constant 2 : i32
      %xor3A_570 = vector.broadcast %xor3A_569 : i32 to vector<16xi32>
      %xor3A_571 = arith.xori %iota3A, %xor3A_570 : vector<16xi32>
      %broadcast_in_dim3A_572 = vector.shape_cast %xor3A_571 : vector<16xi32> to vector<16x1xi32>
      %gather3A_573 = vector.shape_cast %broadcast_in_dim3A_572 : vector<16x1xi32> to vector<16xi32>
      %gather3A_574 = tpu.dynamic_gather %add3A_568[%gather3A_573] in [0] : vector<16xf32>, vector<16xi32> -> vector<16xf32>
      %add3A_575 = arith.addf %add3A_568, %gather3A_574 : vector<16xf32>
      %xor3A_576 = arith.constant 4 : i32
      %xor3A_577 = vector.broadcast %xor3A_576 : i32 to vector<16xi32>
      %xor3A_578 = arith.xori %iota3A, %xor3A_577 : vector<16xi32>
      %broadcast_in_dim3A_579 = vector.shape_cast %xor3A_578 : vector<16xi32> to vector<16x1xi32>
      %gather3A_580 = vector.shape_cast %broadcast_in_dim3A_579 : vector<16x1xi32> to vector<16xi32>
      %gather3A_581 = tpu.dynamic_gather %add3A_575[%gather3A_580] in [0] : vector<16xf32>, vector<16xi32> -> vector<16xf32>
      %add3A_582 = arith.addf %add3A_575, %gather3A_581 : vector<16xf32>
      %xor3A_583 = arith.constant 8 : i32
      %xor3A_584 = vector.broadcast %xor3A_583 : i32 to vector<16xi32>
      %xor3A_585 = arith.xori %iota3A, %xor3A_584 : vector<16xi32>
      %broadcast_in_dim3A_586 = vector.shape_cast %xor3A_585 : vector<16xi32> to vector<16x1xi32>
      %gather3A_587 = vector.shape_cast %broadcast_in_dim3A_586 : vector<16x1xi32> to vector<16xi32>
      %gather3A_588 = tpu.dynamic_gather %add3A_582[%gather3A_587] in [0] : vector<16xf32>, vector<16xi32> -> vector<16xf32>
      %add3A_589 = arith.addf %add3A_582, %gather3A_588 : vector<16xf32>
      %eq3A_590 = arith.constant 11 : i32
      %eq3A_591 = vector.broadcast %eq3A_590 : i32 to vector<16xi32>
      %eq3A_592 = arith.cmpi eq, %iota3A, %eq3A_591 : vector<16xi32>
      %select_n3A_593 = arith.select %eq3A_592, %add3A_589, %select_n3A_546 : vector<16xi1>, vector<16xf32>
      %get3A_594 = arith.constant 12 : i32
      %get3A_595 = arith.index_cast %get3A_594 : i32 to index
      %get3A_596 = arith.constant 0 : index
      %get3A_597 = tpu.vector_load %arg9[%get3A_595, %get3A_596] {strides = array<i32>} : memref<16x128xf32, #tpu.memory_space<vmem>>, vector<1x16xf32>,
      %get3A_598 = vector.shape_cast %get3A_597 : vector<1x16xf32> to vector<16xf32>
      %sub3A_599 = arith.subf %get3A_28, %get3A_598 : vector<16xf32>
      %get3A_600 = arith.constant 12 : i32
      %get3A_601 = arith.index_cast %get3A_600 : i32 to index
      %get3A_602 = arith.constant 16 : index
      %get3A_603 = tpu.vector_load %arg9[%get3A_601, %get3A_602] {strides = array<i32>} : memref<16x128xf32, #tpu.memory_space<vmem>>, vector<1x16xf32>,
      %get3A_604 = vector.shape_cast %get3A_603 : vector<1x16xf32> to vector<16xf32>
      %sub3A_605 = arith.subf %get3A_32, %get3A_604 : vector<16xf32>
      %mul3A_606 = arith.mulf %sub3A_599, %sub3A_599 : vector<16xf32>
      %mul3A_607 = arith.mulf %sub3A_605, %sub3A_605 : vector<16xf32>
      %add3A_608 = arith.addf %mul3A_606, %mul3A_607 : vector<16xf32>
      %xor3A_609 = arith.constant 1 : i32
      %xor3A_610 = vector.broadcast %xor3A_609 : i32 to vector<16xi32>
      %xor3A_611 = arith.xori %iota3A, %xor3A_610 : vector<16xi32>
      %broadcast_in_dim3A_612 = vector.shape_cast %xor3A_611 : vector<16xi32> to vector<16x1xi32>
      %gather3A_613 = vector.shape_cast %broadcast_in_dim3A_612 : vector<16x1xi32> to vector<16xi32>
      %gather3A_614 = tpu.dynamic_gather %add3A_608[%gather3A_613] in [0] : vector<16xf32>, vector<16xi32> -> vector<16xf32>
      %add3A_615 = arith.addf %add3A_608, %gather3A_614 : vector<16xf32>
      %xor3A_616 = arith.constant 2 : i32
      %xor3A_617 = vector.broadcast %xor3A_616 : i32 to vector<16xi32>
      %xor3A_618 = arith.xori %iota3A, %xor3A_617 : vector<16xi32>
      %broadcast_in_dim3A_619 = vector.shape_cast %xor3A_618 : vector<16xi32> to vector<16x1xi32>
      %gather3A_620 = vector.shape_cast %broadcast_in_dim3A_619 : vector<16x1xi32> to vector<16xi32>
      %gather3A_621 = tpu.dynamic_gather %add3A_615[%gather3A_620] in [0] : vector<16xf32>, vector<16xi32> -> vector<16xf32>
      %add3A_622 = arith.addf %add3A_615, %gather3A_621 : vector<16xf32>
      %xor3A_623 = arith.constant 4 : i32
      %xor3A_624 = vector.broadcast %xor3A_623 : i32 to vector<16xi32>
      %xor3A_625 = arith.xori %iota3A, %xor3A_624 : vector<16xi32>
      %broadcast_in_dim3A_626 = vector.shape_cast %xor3A_625 : vector<16xi32> to vector<16x1xi32>
      %gather3A_627 = vector.shape_cast %broadcast_in_dim3A_626 : vector<16x1xi32> to vector<16xi32>
      %gather3A_628 = tpu.dynamic_gather %add3A_622[%gather3A_627] in [0] : vector<16xf32>, vector<16xi32> -> vector<16xf32>
      %add3A_629 = arith.addf %add3A_622, %gather3A_628 : vector<16xf32>
      %xor3A_630 = arith.constant 8 : i32
      %xor3A_631 = vector.broadcast %xor3A_630 : i32 to vector<16xi32>
      %xor3A_632 = arith.xori %iota3A, %xor3A_631 : vector<16xi32>
      %broadcast_in_dim3A_633 = vector.shape_cast %xor3A_632 : vector<16xi32> to vector<16x1xi32>
      %gather3A_634 = vector.shape_cast %broadcast_in_dim3A_633 : vector<16x1xi32> to vector<16xi32>
      %gather3A_635 = tpu.dynamic_gather %add3A_629[%gather3A_634] in [0] : vector<16xf32>, vector<16xi32> -> vector<16xf32>
      %add3A_636 = arith.addf %add3A_629, %gather3A_635 : vector<16xf32>
      %eq3A_637 = arith.constant 12 : i32
      %eq3A_638 = vector.broadcast %eq3A_637 : i32 to vector<16xi32>
      %eq3A_639 = arith.cmpi eq, %iota3A, %eq3A_638 : vector<16xi32>
      %select_n3A_640 = arith.select %eq3A_639, %add3A_636, %select_n3A_593 : vector<16xi1>, vector<16xf32>
      %get3A_641 = arith.constant 13 : i32
      %get3A_642 = arith.index_cast %get3A_641 : i32 to index
      %get3A_643 = arith.constant 0 : index
      %get3A_644 = tpu.vector_load %arg9[%get3A_642, %get3A_643] {strides = array<i32>} : memref<16x128xf32, #tpu.memory_space<vmem>>, vector<1x16xf32>,
      %get3A_645 = vector.shape_cast %get3A_644 : vector<1x16xf32> to vector<16xf32>
      %sub3A_646 = arith.subf %get3A_28, %get3A_645 : vector<16xf32>
      %get3A_647 = arith.constant 13 : i32
      %get3A_648 = arith.index_cast %get3A_647 : i32 to index
      %get3A_649 = arith.constant 16 : index
      %get3A_650 = tpu.vector_load %arg9[%get3A_648, %get3A_649] {strides = array<i32>} : memref<16x128xf32, #tpu.memory_space<vmem>>, vector<1x16xf32>,
      %get3A_651 = vector.shape_cast %get3A_650 : vector<1x16xf32> to vector<16xf32>
      %sub3A_652 = arith.subf %get3A_32, %get3A_651 : vector<16xf32>
      %mul3A_653 = arith.mulf %sub3A_646, %sub3A_646 : vector<16xf32>
      %mul3A_654 = arith.mulf %sub3A_652, %sub3A_652 : vector<16xf32>
      %add3A_655 = arith.addf %mul3A_653, %mul3A_654 : vector<16xf32>
      %xor3A_656 = arith.constant 1 : i32
      %xor3A_657 = vector.broadcast %xor3A_656 : i32 to vector<16xi32>
      %xor3A_658 = arith.xori %iota3A, %xor3A_657 : vector<16xi32>
      %broadcast_in_dim3A_659 = vector.shape_cast %xor3A_658 : vector<16xi32> to vector<16x1xi32>
      %gather3A_660 = vector.shape_cast %broadcast_in_dim3A_659 : vector<16x1xi32> to vector<16xi32>
      %gather3A_661 = tpu.dynamic_gather %add3A_655[%gather3A_660] in [0] : vector<16xf32>, vector<16xi32> -> vector<16xf32>
      %add3A_662 = arith.addf %add3A_655, %gather3A_661 : vector<16xf32>
      %xor3A_663 = arith.constant 2 : i32
      %xor3A_664 = vector.broadcast %xor3A_663 : i32 to vector<16xi32>
      %xor3A_665 = arith.xori %iota3A, %xor3A_664 : vector<16xi32>
      %broadcast_in_dim3A_666 = vector.shape_cast %xor3A_665 : vector<16xi32> to vector<16x1xi32>
      %gather3A_667 = vector.shape_cast %broadcast_in_dim3A_666 : vector<16x1xi32> to vector<16xi32>
      %gather3A_668 = tpu.dynamic_gather %add3A_662[%gather3A_667] in [0] : vector<16xf32>, vector<16xi32> -> vector<16xf32>
      %add3A_669 = arith.addf %add3A_662, %gather3A_668 : vector<16xf32>
      %xor3A_670 = arith.constant 4 : i32
      %xor3A_671 = vector.broadcast %xor3A_670 : i32 to vector<16xi32>
      %xor3A_672 = arith.xori %iota3A, %xor3A_671 : vector<16xi32>
      %broadcast_in_dim3A_673 = vector.shape_cast %xor3A_672 : vector<16xi32> to vector<16x1xi32>
      %gather3A_674 = vector.shape_cast %broadcast_in_dim3A_673 : vector<16x1xi32> to vector<16xi32>
      %gather3A_675 = tpu.dynamic_gather %add3A_669[%gather3A_674] in [0] : vector<16xf32>, vector<16xi32> -> vector<16xf32>
      %add3A_676 = arith.addf %add3A_669, %gather3A_675 : vector<16xf32>
      %xor3A_677 = arith.constant 8 : i32
      %xor3A_678 = vector.broadcast %xor3A_677 : i32 to vector<16xi32>
      %xor3A_679 = arith.xori %iota3A, %xor3A_678 : vector<16xi32>
      %broadcast_in_dim3A_680 = vector.shape_cast %xor3A_679 : vector<16xi32> to vector<16x1xi32>
      %gather3A_681 = vector.shape_cast %broadcast_in_dim3A_680 : vector<16x1xi32> to vector<16xi32>
      %gather3A_682 = tpu.dynamic_gather %add3A_676[%gather3A_681] in [0] : vector<16xf32>, vector<16xi32> -> vector<16xf32>
      %add3A_683 = arith.addf %add3A_676, %gather3A_682 : vector<16xf32>
      %eq3A_684 = arith.constant 13 : i32
      %eq3A_685 = vector.broadcast %eq3A_684 : i32 to vector<16xi32>
      %eq3A_686 = arith.cmpi eq, %iota3A, %eq3A_685 : vector<16xi32>
      %select_n3A_687 = arith.select %eq3A_686, %add3A_683, %select_n3A_640 : vector<16xi1>, vector<16xf32>
      %get3A_688 = arith.constant 14 : i32
      %get3A_689 = arith.index_cast %get3A_688 : i32 to index
      %get3A_690 = arith.constant 0 : index
      %get3A_691 = tpu.vector_load %arg9[%get3A_689, %get3A_690] {strides = array<i32>} : memref<16x128xf32, #tpu.memory_space<vmem>>, vector<1x16xf32>,
      %get3A_692 = vector.shape_cast %get3A_691 : vector<1x16xf32> to vector<16xf32>
      %sub3A_693 = arith.subf %get3A_28, %get3A_692 : vector<16xf32>
      %get3A_694 = arith.constant 14 : i32
      %get3A_695 = arith.index_cast %get3A_694 : i32 to index
      %get3A_696 = arith.constant 16 : index
      %get3A_697 = tpu.vector_load %arg9[%get3A_695, %get3A_696] {strides = array<i32>} : memref<16x128xf32, #tpu.memory_space<vmem>>, vector<1x16xf32>,
      %get3A_698 = vector.shape_cast %get3A_697 : vector<1x16xf32> to vector<16xf32>
      %sub3A_699 = arith.subf %get3A_32, %get3A_698 : vector<16xf32>
      %mul3A_700 = arith.mulf %sub3A_693, %sub3A_693 : vector<16xf32>
      %mul3A_701 = arith.mulf %sub3A_699, %sub3A_699 : vector<16xf32>
      %add3A_702 = arith.addf %mul3A_700, %mul3A_701 : vector<16xf32>
      %xor3A_703 = arith.constant 1 : i32
      %xor3A_704 = vector.broadcast %xor3A_703 : i32 to vector<16xi32>
      %xor3A_705 = arith.xori %iota3A, %xor3A_704 : vector<16xi32>
      %broadcast_in_dim3A_706 = vector.shape_cast %xor3A_705 : vector<16xi32> to vector<16x1xi32>
      %gather3A_707 = vector.shape_cast %broadcast_in_dim3A_706 : vector<16x1xi32> to vector<16xi32>
      %gather3A_708 = tpu.dynamic_gather %add3A_702[%gather3A_707] in [0] : vector<16xf32>, vector<16xi32> -> vector<16xf32>
      %add3A_709 = arith.addf %add3A_702, %gather3A_708 : vector<16xf32>
      %xor3A_710 = arith.constant 2 : i32
      %xor3A_711 = vector.broadcast %xor3A_710 : i32 to vector<16xi32>
      %xor3A_712 = arith.xori %iota3A, %xor3A_711 : vector<16xi32>
      %broadcast_in_dim3A_713 = vector.shape_cast %xor3A_712 : vector<16xi32> to vector<16x1xi32>
      %gather3A_714 = vector.shape_cast %broadcast_in_dim3A_713 : vector<16x1xi32> to vector<16xi32>
      %gather3A_715 = tpu.dynamic_gather %add3A_709[%gather3A_714] in [0] : vector<16xf32>, vector<16xi32> -> vector<16xf32>
      %add3A_716 = arith.addf %add3A_709, %gather3A_715 : vector<16xf32>
      %xor3A_717 = arith.constant 4 : i32
      %xor3A_718 = vector.broadcast %xor3A_717 : i32 to vector<16xi32>
      %xor3A_719 = arith.xori %iota3A, %xor3A_718 : vector<16xi32>
      %broadcast_in_dim3A_720 = vector.shape_cast %xor3A_719 : vector<16xi32> to vector<16x1xi32>
      %gather3A_721 = vector.shape_cast %broadcast_in_dim3A_720 : vector<16x1xi32> to vector<16xi32>
      %gather3A_722 = tpu.dynamic_gather %add3A_716[%gather3A_721] in [0] : vector<16xf32>, vector<16xi32> -> vector<16xf32>
      %add3A_723 = arith.addf %add3A_716, %gather3A_722 : vector<16xf32>
      %xor3A_724 = arith.constant 8 : i32
      %xor3A_725 = vector.broadcast %xor3A_724 : i32 to vector<16xi32>
      %xor3A_726 = arith.xori %iota3A, %xor3A_725 : vector<16xi32>
      %broadcast_in_dim3A_727 = vector.shape_cast %xor3A_726 : vector<16xi32> to vector<16x1xi32>
      %gather3A_728 = vector.shape_cast %broadcast_in_dim3A_727 : vector<16x1xi32> to vector<16xi32>
      %gather3A_729 = tpu.dynamic_gather %add3A_723[%gather3A_728] in [0] : vector<16xf32>, vector<16xi32> -> vector<16xf32>
      %add3A_730 = arith.addf %add3A_723, %gather3A_729 : vector<16xf32>
      %eq3A_731 = arith.constant 14 : i32
      %eq3A_732 = vector.broadcast %eq3A_731 : i32 to vector<16xi32>
      %eq3A_733 = arith.cmpi eq, %iota3A, %eq3A_732 : vector<16xi32>
      %select_n3A_734 = arith.select %eq3A_733, %add3A_730, %select_n3A_687 : vector<16xi1>, vector<16xf32>
      %get3A_735 = arith.constant 15 : i32
      %get3A_736 = arith.index_cast %get3A_735 : i32 to index
      %get3A_737 = arith.constant 0 : index
      %get3A_738 = tpu.vector_load %arg9[%get3A_736, %get3A_737] {strides = array<i32>} : memref<16x128xf32, #tpu.memory_space<vmem>>, vector<1x16xf32>,
      %get3A_739 = vector.shape_cast %get3A_738 : vector<1x16xf32> to vector<16xf32>
      %sub3A_740 = arith.subf %get3A_28, %get3A_739 : vector<16xf32>
      %get3A_741 = arith.constant 15 : i32
      %get3A_742 = arith.index_cast %get3A_741 : i32 to index
      %get3A_743 = arith.constant 16 : index
      %get3A_744 = tpu.vector_load %arg9[%get3A_742, %get3A_743] {strides = array<i32>} : memref<16x128xf32, #tpu.memory_space<vmem>>, vector<1x16xf32>,
      %get3A_745 = vector.shape_cast %get3A_744 : vector<1x16xf32> to vector<16xf32>
      %sub3A_746 = arith.subf %get3A_32, %get3A_745 : vector<16xf32>
      %mul3A_747 = arith.mulf %sub3A_740, %sub3A_740 : vector<16xf32>
      %mul3A_748 = arith.mulf %sub3A_746, %sub3A_746 : vector<16xf32>
      %add3A_749 = arith.addf %mul3A_747, %mul3A_748 : vector<16xf32>
      %xor3A_750 = arith.constant 1 : i32
      %xor3A_751 = vector.broadcast %xor3A_750 : i32 to vector<16xi32>
      %xor3A_752 = arith.xori %iota3A, %xor3A_751 : vector<16xi32>
      %broadcast_in_dim3A_753 = vector.shape_cast %xor3A_752 : vector<16xi32> to vector<16x1xi32>
      %gather3A_754 = vector.shape_cast %broadcast_in_dim3A_753 : vector<16x1xi32> to vector<16xi32>
      %gather3A_755 = tpu.dynamic_gather %add3A_749[%gather3A_754] in [0] : vector<16xf32>, vector<16xi32> -> vector<16xf32>
      %add3A_756 = arith.addf %add3A_749, %gather3A_755 : vector<16xf32>
      %xor3A_757 = arith.constant 2 : i32
      %xor3A_758 = vector.broadcast %xor3A_757 : i32 to vector<16xi32>
      %xor3A_759 = arith.xori %iota3A, %xor3A_758 : vector<16xi32>
      %broadcast_in_dim3A_760 = vector.shape_cast %xor3A_759 : vector<16xi32> to vector<16x1xi32>
      %gather3A_761 = vector.shape_cast %broadcast_in_dim3A_760 : vector<16x1xi32> to vector<16xi32>
      %gather3A_762 = tpu.dynamic_gather %add3A_756[%gather3A_761] in [0] : vector<16xf32>, vector<16xi32> -> vector<16xf32>
      %add3A_763 = arith.addf %add3A_756, %gather3A_762 : vector<16xf32>
      %xor3A_764 = arith.constant 4 : i32
      %xor3A_765 = vector.broadcast %xor3A_764 : i32 to vector<16xi32>
      %xor3A_766 = arith.xori %iota3A, %xor3A_765 : vector<16xi32>
      %broadcast_in_dim3A_767 = vector.shape_cast %xor3A_766 : vector<16xi32> to vector<16x1xi32>
      %gather3A_768 = vector.shape_cast %broadcast_in_dim3A_767 : vector<16x1xi32> to vector<16xi32>
      %gather3A_769 = tpu.dynamic_gather %add3A_763[%gather3A_768] in [0] : vector<16xf32>, vector<16xi32> -> vector<16xf32>
      %add3A_770 = arith.addf %add3A_763, %gather3A_769 : vector<16xf32>
      %xor3A_771 = arith.constant 8 : i32
      %xor3A_772 = vector.broadcast %xor3A_771 : i32 to vector<16xi32>
      %xor3A_773 = arith.xori %iota3A, %xor3A_772 : vector<16xi32>
      %broadcast_in_dim3A_774 = vector.shape_cast %xor3A_773 : vector<16xi32> to vector<16x1xi32>
      %gather3A_775 = vector.shape_cast %broadcast_in_dim3A_774 : vector<16x1xi32> to vector<16xi32>
      %gather3A_776 = tpu.dynamic_gather %add3A_770[%gather3A_775] in [0] : vector<16xf32>, vector<16xi32> -> vector<16xf32>
      %add3A_777 = arith.addf %add3A_770, %gather3A_776 : vector<16xf32>
      %eq3A_778 = arith.constant 15 : i32
      %eq3A_779 = vector.broadcast %eq3A_778 : i32 to vector<16xi32>
      %eq3A_780 = arith.cmpi eq, %iota3A, %eq3A_779 : vector<16xi32>
      %select_n3A_781 = arith.select %eq3A_780, %add3A_777, %select_n3A_734 : vector<16xi1>, vector<16xf32>
      %bitcast_convert_type3A = tpu.bitcast %select_n3A_781 : vector<16xf32> -> vector<16xi32>
      %shift_right_arithmetic3A = arith.constant 1 : i32
      %shift_right_arithmetic3A_782 = vector.broadcast %shift_right_arithmetic3A : i32 to vector<16xi32>
      %shift_right_arithmetic3A_783 = arith.shrsi %bitcast_convert_type3A, %shift_right_arithmetic3A_782 : vector<16xi32>
      %sub3A_784 = arith.constant 1597463007 : i32
      %sub3A_785 = vector.broadcast %sub3A_784 : i32 to vector<16xi32>
      %sub3A_786 = arith.subi %sub3A_785, %shift_right_arithmetic3A_783 : vector<16xi32>
      %bitcast_convert_type3A_787 = tpu.bitcast %sub3A_786 : vector<16xi32> -> vector<16xf32>
      %mul3A_788 = arith.constant 5.000000e-01 : f32
      %mul3A_789 = vector.broadcast %mul3A_788 : f32 to vector<16xf32>
      %mul3A_790 = arith.mulf %mul3A_789, %select_n3A_781 : vector<16xf32>
      %mul3A_791 = arith.mulf %mul3A_790, %bitcast_convert_type3A_787 : vector<16xf32>
      %mul3A_792 = arith.mulf %mul3A_791, %bitcast_convert_type3A_787 : vector<16xf32>
      %sub3A_793 = arith.constant 1.500000e+00 : f32
      %sub3A_794 = vector.broadcast %sub3A_793 : f32 to vector<16xf32>
      %sub3A_795 = arith.subf %sub3A_794, %mul3A_792 : vector<16xf32>
      %mul3A_796 = arith.mulf %bitcast_convert_type3A_787, %sub3A_795 : vector<16xf32>
      %mul3A_797 = arith.constant 5.000000e-01 : f32
      %mul3A_798 = vector.broadcast %mul3A_797 : f32 to vector<16xf32>
      %mul3A_799 = arith.mulf %mul3A_798, %select_n3A_781 : vector<16xf32>
      %mul3A_800 = arith.mulf %mul3A_799, %mul3A_796 : vector<16xf32>
      %mul3A_801 = arith.mulf %mul3A_800, %mul3A_796 : vector<16xf32>
      %sub3A_802 = arith.constant 1.500000e+00 : f32
      %sub3A_803 = vector.broadcast %sub3A_802 : f32 to vector<16xf32>
      %sub3A_804 = arith.subf %sub3A_803, %mul3A_801 : vector<16xf32>
      %mul3A_805 = arith.mulf %mul3A_796, %sub3A_804 : vector<16xf32>
      %mul3A_806 = arith.constant 5.000000e-01 : f32
      %mul3A_807 = vector.broadcast %mul3A_806 : f32 to vector<16xf32>
      %mul3A_808 = arith.mulf %mul3A_807, %select_n3A_781 : vector<16xf32>
      %mul3A_809 = arith.mulf %mul3A_808, %mul3A_805 : vector<16xf32>
      %mul3A_810 = arith.mulf %mul3A_809, %mul3A_805 : vector<16xf32>
      %sub3A_811 = arith.constant 1.500000e+00 : f32
      %sub3A_812 = vector.broadcast %sub3A_811 : f32 to vector<16xf32>
      %sub3A_813 = arith.subf %sub3A_812, %mul3A_810 : vector<16xf32>
      %mul3A_814 = arith.mulf %mul3A_805, %sub3A_813 : vector<16xf32>
      %mul3A_815 = arith.mulf %select_n3A_781, %mul3A_814 : vector<16xf32>
      %jit3A = arith.constant 0.000000e+00 : f32
      %broadcast_in_dim3A_816 = vector.broadcast %jit3A : f32 to vector<16xf32>
      %select_n3A_817 = arith.select %lt3A_4, %mul3A_815, %broadcast_in_dim3A_816 : vector<16xi1>, vector<16xf32>
      %xor3A_818 = arith.constant 1 : i32
      %xor3A_819 = vector.broadcast %xor3A_818 : i32 to vector<16xi32>
      %xor3A_820 = arith.xori %iota3A, %xor3A_819 : vector<16xi32>
      %broadcast_in_dim3A_821 = vector.shape_cast %xor3A_820 : vector<16xi32> to vector<16x1xi32>
      %gather3A_822 = vector.shape_cast %broadcast_in_dim3A_821 : vector<16x1xi32> to vector<16xi32>
      %gather3A_823 = tpu.dynamic_gather %select_n3A_817[%gather3A_822] in [0] : vector<16xf32>, vector<16xi32> -> vector<16xf32>
      %max3A = arith.maximumf %select_n3A_817, %gather3A_823 : vector<16xf32>
      %xor3A_824 = arith.constant 2 : i32
      %xor3A_825 = vector.broadcast %xor3A_824 : i32 to vector<16xi32>
      %xor3A_826 = arith.xori %iota3A, %xor3A_825 : vector<16xi32>
      %broadcast_in_dim3A_827 = vector.shape_cast %xor3A_826 : vector<16xi32> to vector<16x1xi32>
      %gather3A_828 = vector.shape_cast %broadcast_in_dim3A_827 : vector<16x1xi32> to vector<16xi32>
      %gather3A_829 = tpu.dynamic_gather %max3A[%gather3A_828] in [0] : vector<16xf32>, vector<16xi32> -> vector<16xf32>
      %max3A_830 = arith.maximumf %max3A, %gather3A_829 : vector<16xf32>
      %xor3A_831 = arith.constant 4 : i32
      %xor3A_832 = vector.broadcast %xor3A_831 : i32 to vector<16xi32>
      %xor3A_833 = arith.xori %iota3A, %xor3A_832 : vector<16xi32>
      %broadcast_in_dim3A_834 = vector.shape_cast %xor3A_833 : vector<16xi32> to vector<16x1xi32>
      %gather3A_835 = vector.shape_cast %broadcast_in_dim3A_834 : vector<16x1xi32> to vector<16xi32>
      %gather3A_836 = tpu.dynamic_gather %max3A_830[%gather3A_835] in [0] : vector<16xf32>, vector<16xi32> -> vector<16xf32>
      %max3A_837 = arith.maximumf %max3A_830, %gather3A_836 : vector<16xf32>
      %xor3A_838 = arith.constant 8 : i32
      %xor3A_839 = vector.broadcast %xor3A_838 : i32 to vector<16xi32>
      %xor3A_840 = arith.xori %iota3A, %xor3A_839 : vector<16xi32>
      %broadcast_in_dim3A_841 = vector.shape_cast %xor3A_840 : vector<16xi32> to vector<16x1xi32>
      %gather3A_842 = vector.shape_cast %broadcast_in_dim3A_841 : vector<16x1xi32> to vector<16xi32>
      %gather3A_843 = tpu.dynamic_gather %max3A_837[%gather3A_842] in [0] : vector<16xf32>, vector<16xi32> -> vector<16xf32>
      %max3A_844 = arith.maximumf %max3A_837, %gather3A_843 : vector<16xf32>
      %max3A_845 = arith.constant 9.99999993E-9 : f32
      %max3A_846 = vector.broadcast %max3A_845 : f32 to vector<16xf32>
      %max3A_847 = arith.maximumf %max3A_844, %max3A_846 : vector<16xf32>
      %div3A = arith.divf %mul3A_815, %max3A_847 : vector<16xf32>
      %get3A_848 = arith.index_cast %scan3A_14 : i32 to index
      %get3A_849 = arith.constant 0 : index
      %get3A_850 = tpu.vector_load %arg7[%get3A_848, %get3A_849] {strides = array<i32>} : memref<256x16xf32, #tpu.memory_space<vmem>>, vector<1x16xf32>,
      %get3A_851 = vector.shape_cast %get3A_850 : vector<1x16xf32> to vector<16xf32>
      %sub3A_852 = arith.subf %div3A, %get3A_851 : vector<16xf32>
      %abs3A = math.absf %sub3A_852 : vector<16xf32>
      %jit3A_853 = arith.constant 0.000000e+00 : f32
      %broadcast_in_dim3A_854 = vector.broadcast %jit3A_853 : f32 to vector<16xf32>
      %select_n3A_855 = arith.select %lt3A_4, %abs3A, %broadcast_in_dim3A_854 : vector<16xi1>, vector<16xf32>
      %add3A_856 = arith.addf %scan3A_15, %select_n3A_855 : vector<16xf32>
      scf.yield %add3A_856 : vector<16xf32>
    }
    %scan3A_10 = arith.constant 256 : i32
    %swap3A = arith.constant 0 : index
    %swap3A_11 = tpu.vector_load %arg10[%swap3A] {strides = array<i32>} : memref<16xf32, #tpu.memory_space<vmem>>, vector<16xf32>,
    %swap3A_12 = vector.shape_cast %swap3A_11 : vector<16xf32> to vector<16xf32>
    %swap3A_13 = vector.shape_cast %scan3A_9 : vector<16xf32> to vector<16xf32>
    tpu.vector_store %arg10[%swap3A], %swap3A_13 {strides = array<i32>} : memref<16xf32, #tpu.memory_space<vmem>>, vector<16xf32>,
    "tpu.region"() ({
      %run_scoped3A = tpu.sem_alloc : memref<!tpu.dma_semaphore, #tpu.memory_space<semaphore_mem>>
      %dma_start3A = arith.constant 0 : i32
      %dma_start3A_14 = tpu.memref_slice %arg5[%add3A, %dma_start3A] : memref<32x16xf32, #tpu.memory_space<hbm>> -> memref<1x16xf32, #tpu.memory_space<hbm>>
      %dma_start3A_15 = tpu.memref_squeeze %dma_start3A_14 : memref<1x16xf32, #tpu.memory_space<hbm>> -> memref<16xf32, #tpu.memory_space<hbm>>
      %dma_start3A_16 = arith.constant 0 : i32
      %dma_start3A_17 = tpu.memref_slice %arg5[%add3A, %dma_start3A_16] : memref<32x16xf32, #tpu.memory_space<hbm>> -> memref<1x16xf32, #tpu.memory_space<hbm>>
      %dma_start3A_18 = tpu.memref_squeeze %dma_start3A_17 : memref<1x16xf32, #tpu.memory_space<hbm>> -> memref<16xf32, #tpu.memory_space<hbm>>
      tpu.enqueue_dma source(%arg10 : memref<16xf32, #tpu.memory_space<vmem>>) target(%dma_start3A_18 : memref<16xf32, #tpu.memory_space<hbm>>) target_semaphore(%run_scoped3A : memref<!tpu.dma_semaphore, #tpu.memory_space<semaphore_mem>>)
      %dma_wait3A = arith.constant 0 : i32
      %dma_wait3A_19 = tpu.memref_slice %arg5[%add3A, %dma_wait3A] : memref<32x16xf32, #tpu.memory_space<hbm>> -> memref<1x16xf32, #tpu.memory_space<hbm>>
      %dma_wait3A_20 = tpu.memref_squeeze %dma_wait3A_19 : memref<1x16xf32, #tpu.memory_space<hbm>> -> memref<16xf32, #tpu.memory_space<hbm>>
      %dma_wait3A_21 = arith.constant 0 : i32
      %dma_wait3A_22 = tpu.memref_slice %arg5[%add3A, %dma_wait3A_21] : memref<32x16xf32, #tpu.memory_space<hbm>> -> memref<1x16xf32, #tpu.memory_space<hbm>>
      %dma_wait3A_23 = tpu.memref_squeeze %dma_wait3A_22 : memref<1x16xf32, #tpu.memory_space<hbm>> -> memref<16xf32, #tpu.memory_space<hbm>>
      tpu.wait_dma2 semaphore(%run_scoped3A : memref<!tpu.dma_semaphore, #tpu.memory_space<semaphore_mem>>) src(%arg10 : memref<16xf32, #tpu.memory_space<vmem>>) dst(%dma_wait3A_23 : memref<16xf32, #tpu.memory_space<hbm>>)
      tpu.yield
    }) : () -> ()
    return
  }
}

module attributes {stable_mosaic.version = 14 : i64} {
  func.func @_sum_body(%arg0: memref<32x16xf32, #tpu.memory_space<vmem>>, %arg1: memref<1x1xf32, #tpu.memory_space<vmem>>) attributes {dimension_semantics = [], scalar_prefetch = 0 : i64, scratch_operands = 0 : i64, tpu.core_type = #tpu.core_type<tc>} {
    %get3A = arith.constant 0 : index
    %get3A_0 = arith.constant 0 : index
    %get3A_1 = vector.load %arg0[%get3A, %get3A_0] : memref<32x16xf32, #tpu.memory_space<vmem>>, vector<32x16xf32>
    %reduce_sum3A = arith.constant dense<0.000000e+00> : vector<16xf32>
    %reduce_sum3A_2 = vector.multi_reduction <add>, %get3A_1, %reduce_sum3A [0] : vector<32x16xf32> to vector<16xf32>
    %broadcast_in_dim3A = vector.shape_cast %reduce_sum3A_2 : vector<16xf32> to vector<1x16xf32>
    %reduce_sum3A_3 = arith.constant dense<0.000000e+00> : vector<1xf32>
    %reduce_sum3A_4 = vector.multi_reduction <add>, %broadcast_in_dim3A, %reduce_sum3A_3 [1] : vector<1x16xf32> to vector<1xf32>
    %broadcast_in_dim3A_5 = vector.shape_cast %reduce_sum3A_4 : vector<1xf32> to vector<1x1xf32>
    %div3A = arith.constant 8.192000e+04 : f32
    %div3A_6 = vector.broadcast %div3A : f32 to vector<1x1xf32>
    %div3A_7 = arith.divf %broadcast_in_dim3A_5, %div3A_6 : vector<1x1xf32>
    %swap3A = arith.constant 0 : index
    %swap3A_8 = arith.constant 0 : index
    %swap3A_9 = vector.load %arg1[%swap3A, %swap3A_8] : memref<1x1xf32, #tpu.memory_space<vmem>>, vector<1x1xf32>
    tpu.vector_store %arg1[%swap3A, %swap3A_8], %div3A_7 {strides = array<i32>} : memref<1x1xf32, #tpu.memory_space<vmem>>, vector<1x1xf32>,
    return
  }
}

module attributes {stable_mosaic.version = 14 : i64} {
  func.func @_topk_body(%arg0: i32, %arg1: memref<8192x128xf32, #tpu.memory_space<vmem>>, %arg2: memref<1024x128xf32, #tpu.memory_space<vmem>>, %arg3: memref<1024x16xi32, #tpu.memory_space<vmem>>, %arg4: memref<1024x16xf32, #tpu.memory_space<vmem>>, %arg5: memref<8192x136xf32, #tpu.memory_space<vmem>>) attributes {dimension_semantics = [#tpu.dimension_semantics<arbitrary>], iteration_bounds = array<i64: 8>, scalar_prefetch = 0 : i64, scratch_operands = 1 : i64, tpu.core_type = #tpu.core_type<tc>, window_params = [{pipeline_mode = #tpu.pipeline_mode<synchronous>, transform_indices = @transform_0, window_bounds = array<i64: 8192, 128>}, {transform_indices = @transform_1, window_bounds = array<i64: 1024, 128>}, {transform_indices = @transform_2, window_bounds = array<i64: 1024, 16>}, {transform_indices = @transform_3, window_bounds = array<i64: 1024, 16>}]} {
    %get3A = arith.constant 0 : index
    %get3A_0 = arith.constant 0 : index
    %get3A_1 = vector.load %arg2[%get3A, %get3A_0] : memref<1024x128xf32, #tpu.memory_space<vmem>>, vector<1024x128xf32>
    %eq3A = arith.constant 0 : i32
    %eq3A_2 = arith.cmpi eq, %arg0, %eq3A : i32
    %convert_element_type3A = arith.extui %eq3A_2 : i1 to i32
    %cond3A = arith.constant 0 : i32
    %cond3A_3 = arith.cmpi ne, %convert_element_type3A, %cond3A : i32
    scf.if %cond3A_3 {
      %get3A_705 = arith.constant 0 : index
      %get3A_706 = arith.constant 0 : index
      %get3A_707 = vector.load %arg1[%get3A_705, %get3A_706] : memref<8192x128xf32, #tpu.memory_space<vmem>>, vector<8192x128xf32>
      %mul3A_708 = arith.constant -2.000000e+00 : f32
      %mul3A_709 = vector.broadcast %mul3A_708 : f32 to vector<8192x128xf32>
      %mul3A_710 = arith.mulf %mul3A_709, %get3A_707 : vector<8192x128xf32>
      %swap3A_711 = arith.constant 0 : index
      %swap3A_712 = arith.constant 0 : index
      %swap3A_713 = vector.load %arg5[%swap3A_711, %swap3A_712] : memref<8192x136xf32, #tpu.memory_space<vmem>>, vector<8192x128xf32>
      tpu.vector_store %arg5[%swap3A_711, %swap3A_712], %mul3A_710 {strides = array<i32>} : memref<8192x136xf32, #tpu.memory_space<vmem>>, vector<8192x128xf32>,
      %mul3A_714 = arith.mulf %get3A_707, %get3A_707 : vector<8192x128xf32>
      %reduce_sum3A_715 = arith.constant dense<0.000000e+00> : vector<8192xf32>
      %reduce_sum3A_716 = vector.multi_reduction <add>, %mul3A_714, %reduce_sum3A_715 [1] : vector<8192x128xf32> to vector<8192xf32>
      %broadcast_in_dim3A_717 = vector.shape_cast %reduce_sum3A_716 : vector<8192xf32> to vector<8192x1xf32>
      %broadcast_in_dim3A_718 = vector.shape_cast %broadcast_in_dim3A_717 : vector<8192x1xf32> to vector<8192x1xf32>
      %broadcast_in_dim3A_719 = vector.broadcast %broadcast_in_dim3A_718 : vector<8192x1xf32> to vector<8192x8xf32>
      %swap3A_720 = arith.constant 0 : index
      %swap3A_721 = arith.constant 128 : index
      %swap3A_722 = vector.load %arg5[%swap3A_720, %swap3A_721] : memref<8192x136xf32, #tpu.memory_space<vmem>>, vector<8192x8xf32>
      tpu.vector_store %arg5[%swap3A_720, %swap3A_721], %broadcast_in_dim3A_719 {strides = array<i32>} : memref<8192x136xf32, #tpu.memory_space<vmem>>, vector<8192x8xf32>,
    } else {
    }
    %mul3A = arith.mulf %get3A_1, %get3A_1 : vector<1024x128xf32>
    %reduce_sum3A = arith.constant dense<0.000000e+00> : vector<1024xf32>
    %reduce_sum3A_4 = vector.multi_reduction <add>, %mul3A, %reduce_sum3A [1] : vector<1024x128xf32> to vector<1024xf32>
    %broadcast_in_dim3A = arith.constant 1.000000e+00 : f32
    %broadcast_in_dim3A_5 = vector.broadcast %broadcast_in_dim3A : f32 to vector<1024x1xf32>
    %broadcast_in_dim3A_6 = arith.constant 0.000000e+00 : f32
    %broadcast_in_dim3A_7 = vector.broadcast %broadcast_in_dim3A_6 : f32 to vector<1024x7xf32>
    %concatenate3A = tpu.concatenate %broadcast_in_dim3A_5, %broadcast_in_dim3A_7 in 1 : vector<1024x1xf32>, vector<1024x7xf32> -> vector<1024x8xf32>
    %concatenate3A_8 = tpu.concatenate %get3A_1, %concatenate3A in 1 : vector<1024x128xf32>, vector<1024x8xf32> -> vector<1024x136xf32>
    %iota3A = tpu.iota {dimensions = array<i32: 1>} : vector<1024x256xi32>
    %get3A_9 = arith.constant 0 : index
    %get3A_10 = arith.constant 0 : index
    %get3A_11 = vector.load %arg5[%get3A_9, %get3A_10] : memref<8192x136xf32, #tpu.memory_space<vmem>>, vector<256x136xf32>
    %dot_general3A = arith.constant dense<0.000000e+00> : vector<1024x256xf32>
    %dot_general3A_12 = tpu.matmul %concatenate3A_8, %get3A_11, %dot_general3A {dimension_numbers = #tpu.dot_dimension_numbers<[1], [1], [0], [0], [0, 0, 1, 0], [], []>, transpose_lhs_hint = false} : vector<1024x136xf32>, vector<256x136xf32>, vector<1024x256xf32> -> vector<1024x256xf32>
    %get3A_13 = arith.constant 256 : index
    %get3A_14 = arith.constant 0 : index
    %get3A_15 = vector.load %arg5[%get3A_13, %get3A_14] : memref<8192x136xf32, #tpu.memory_space<vmem>>, vector<256x136xf32>
    %dot_general3A_16 = arith.constant dense<0.000000e+00> : vector<1024x256xf32>
    %dot_general3A_17 = tpu.matmul %concatenate3A_8, %get3A_15, %dot_general3A_16 {dimension_numbers = #tpu.dot_dimension_numbers<[1], [1], [0], [0], [0, 0, 1, 0], [], []>, transpose_lhs_hint = false} : vector<1024x136xf32>, vector<256x136xf32>, vector<1024x256xf32> -> vector<1024x256xf32>
    %lt3A = arith.cmpf olt, %dot_general3A_12, %dot_general3A_17 : vector<1024x256xf32>
    %min3A = arith.minimumf %dot_general3A_12, %dot_general3A_17 : vector<1024x256xf32>
    %max3A = arith.maximumf %dot_general3A_12, %dot_general3A_17 : vector<1024x256xf32>
    %add3A = arith.constant 256 : i32
    %add3A_18 = vector.broadcast %add3A : i32 to vector<1024x256xi32>
    %add3A_19 = arith.addi %iota3A, %add3A_18 : vector<1024x256xi32>
    %select_n3A = arith.select %lt3A, %iota3A, %add3A_19 : vector<1024x256xi1>, vector<1024x256xi32>
    %add3A_20 = arith.constant 256 : i32
    %add3A_21 = vector.broadcast %add3A_20 : i32 to vector<1024x256xi32>
    %add3A_22 = arith.addi %iota3A, %add3A_21 : vector<1024x256xi32>
    %select_n3A_23 = arith.select %lt3A, %add3A_22, %iota3A : vector<1024x256xi1>, vector<1024x256xi32>
    %get3A_24 = arith.constant 512 : index
    %get3A_25 = arith.constant 0 : index
    %get3A_26 = vector.load %arg5[%get3A_24, %get3A_25] : memref<8192x136xf32, #tpu.memory_space<vmem>>, vector<256x136xf32>
    %dot_general3A_27 = arith.constant dense<0.000000e+00> : vector<1024x256xf32>
    %dot_general3A_28 = tpu.matmul %concatenate3A_8, %get3A_26, %dot_general3A_27 {dimension_numbers = #tpu.dot_dimension_numbers<[1], [1], [0], [0], [0, 0, 1, 0], [], []>, transpose_lhs_hint = false} : vector<1024x136xf32>, vector<256x136xf32>, vector<1024x256xf32> -> vector<1024x256xf32>
    %add3A_29 = arith.constant 512 : i32
    %add3A_30 = vector.broadcast %add3A_29 : i32 to vector<1024x256xi32>
    %add3A_31 = arith.addi %iota3A, %add3A_30 : vector<1024x256xi32>
    %lt3A_32 = arith.cmpf olt, %dot_general3A_28, %min3A : vector<1024x256xf32>
    %lt3A_33 = arith.cmpf olt, %dot_general3A_28, %max3A : vector<1024x256xf32>
    %select_n3A_34 = arith.select %lt3A_33, %dot_general3A_28, %max3A : vector<1024x256xi1>, vector<1024x256xf32>
    %select_n3A_35 = arith.select %lt3A_32, %min3A, %select_n3A_34 : vector<1024x256xi1>, vector<1024x256xf32>
    %select_n3A_36 = arith.select %lt3A_33, %add3A_31, %select_n3A_23 : vector<1024x256xi1>, vector<1024x256xi32>
    %select_n3A_37 = arith.select %lt3A_32, %select_n3A, %select_n3A_36 : vector<1024x256xi1>, vector<1024x256xi32>
    %select_n3A_38 = arith.select %lt3A_32, %dot_general3A_28, %min3A : vector<1024x256xi1>, vector<1024x256xf32>
    %select_n3A_39 = arith.select %lt3A_32, %add3A_31, %select_n3A : vector<1024x256xi1>, vector<1024x256xi32>
    %get3A_40 = arith.constant 768 : index
    %get3A_41 = arith.constant 0 : index
    %get3A_42 = vector.load %arg5[%get3A_40, %get3A_41] : memref<8192x136xf32, #tpu.memory_space<vmem>>, vector<256x136xf32>
    %dot_general3A_43 = arith.constant dense<0.000000e+00> : vector<1024x256xf32>
    %dot_general3A_44 = tpu.matmul %concatenate3A_8, %get3A_42, %dot_general3A_43 {dimension_numbers = #tpu.dot_dimension_numbers<[1], [1], [0], [0], [0, 0, 1, 0], [], []>, transpose_lhs_hint = false} : vector<1024x136xf32>, vector<256x136xf32>, vector<1024x256xf32> -> vector<1024x256xf32>
    %add3A_45 = arith.constant 768 : i32
    %add3A_46 = vector.broadcast %add3A_45 : i32 to vector<1024x256xi32>
    %add3A_47 = arith.addi %iota3A, %add3A_46 : vector<1024x256xi32>
    %lt3A_48 = arith.cmpf olt, %dot_general3A_44, %select_n3A_38 : vector<1024x256xf32>
    %lt3A_49 = arith.cmpf olt, %dot_general3A_44, %select_n3A_35 : vector<1024x256xf32>
    %select_n3A_50 = arith.select %lt3A_49, %dot_general3A_44, %select_n3A_35 : vector<1024x256xi1>, vector<1024x256xf32>
    %select_n3A_51 = arith.select %lt3A_48, %select_n3A_38, %select_n3A_50 : vector<1024x256xi1>, vector<1024x256xf32>
    %select_n3A_52 = arith.select %lt3A_49, %add3A_47, %select_n3A_37 : vector<1024x256xi1>, vector<1024x256xi32>
    %select_n3A_53 = arith.select %lt3A_48, %select_n3A_39, %select_n3A_52 : vector<1024x256xi1>, vector<1024x256xi32>
    %select_n3A_54 = arith.select %lt3A_48, %dot_general3A_44, %select_n3A_38 : vector<1024x256xi1>, vector<1024x256xf32>
    %select_n3A_55 = arith.select %lt3A_48, %add3A_47, %select_n3A_39 : vector<1024x256xi1>, vector<1024x256xi32>
    %get3A_56 = arith.constant 1024 : index
    %get3A_57 = arith.constant 0 : index
    %get3A_58 = vector.load %arg5[%get3A_56, %get3A_57] : memref<8192x136xf32, #tpu.memory_space<vmem>>, vector<256x136xf32>
    %dot_general3A_59 = arith.constant dense<0.000000e+00> : vector<1024x256xf32>
    %dot_general3A_60 = tpu.matmul %concatenate3A_8, %get3A_58, %dot_general3A_59 {dimension_numbers = #tpu.dot_dimension_numbers<[1], [1], [0], [0], [0, 0, 1, 0], [], []>, transpose_lhs_hint = false} : vector<1024x136xf32>, vector<256x136xf32>, vector<1024x256xf32> -> vector<1024x256xf32>
    %add3A_61 = arith.constant 1024 : i32
    %add3A_62 = vector.broadcast %add3A_61 : i32 to vector<1024x256xi32>
    %add3A_63 = arith.addi %iota3A, %add3A_62 : vector<1024x256xi32>
    %lt3A_64 = arith.cmpf olt, %dot_general3A_60, %select_n3A_54 : vector<1024x256xf32>
    %lt3A_65 = arith.cmpf olt, %dot_general3A_60, %select_n3A_51 : vector<1024x256xf32>
    %select_n3A_66 = arith.select %lt3A_65, %dot_general3A_60, %select_n3A_51 : vector<1024x256xi1>, vector<1024x256xf32>
    %select_n3A_67 = arith.select %lt3A_64, %select_n3A_54, %select_n3A_66 : vector<1024x256xi1>, vector<1024x256xf32>
    %select_n3A_68 = arith.select %lt3A_65, %add3A_63, %select_n3A_53 : vector<1024x256xi1>, vector<1024x256xi32>
    %select_n3A_69 = arith.select %lt3A_64, %select_n3A_55, %select_n3A_68 : vector<1024x256xi1>, vector<1024x256xi32>
    %select_n3A_70 = arith.select %lt3A_64, %dot_general3A_60, %select_n3A_54 : vector<1024x256xi1>, vector<1024x256xf32>
    %select_n3A_71 = arith.select %lt3A_64, %add3A_63, %select_n3A_55 : vector<1024x256xi1>, vector<1024x256xi32>
    %get3A_72 = arith.constant 1280 : index
    %get3A_73 = arith.constant 0 : index
    %get3A_74 = vector.load %arg5[%get3A_72, %get3A_73] : memref<8192x136xf32, #tpu.memory_space<vmem>>, vector<256x136xf32>
    %dot_general3A_75 = arith.constant dense<0.000000e+00> : vector<1024x256xf32>
    %dot_general3A_76 = tpu.matmul %concatenate3A_8, %get3A_74, %dot_general3A_75 {dimension_numbers = #tpu.dot_dimension_numbers<[1], [1], [0], [0], [0, 0, 1, 0], [], []>, transpose_lhs_hint = false} : vector<1024x136xf32>, vector<256x136xf32>, vector<1024x256xf32> -> vector<1024x256xf32>
    %add3A_77 = arith.constant 1280 : i32
    %add3A_78 = vector.broadcast %add3A_77 : i32 to vector<1024x256xi32>
    %add3A_79 = arith.addi %iota3A, %add3A_78 : vector<1024x256xi32>
    %lt3A_80 = arith.cmpf olt, %dot_general3A_76, %select_n3A_70 : vector<1024x256xf32>
    %lt3A_81 = arith.cmpf olt, %dot_general3A_76, %select_n3A_67 : vector<1024x256xf32>
    %select_n3A_82 = arith.select %lt3A_81, %dot_general3A_76, %select_n3A_67 : vector<1024x256xi1>, vector<1024x256xf32>
    %select_n3A_83 = arith.select %lt3A_80, %select_n3A_70, %select_n3A_82 : vector<1024x256xi1>, vector<1024x256xf32>
    %select_n3A_84 = arith.select %lt3A_81, %add3A_79, %select_n3A_69 : vector<1024x256xi1>, vector<1024x256xi32>
    %select_n3A_85 = arith.select %lt3A_80, %select_n3A_71, %select_n3A_84 : vector<1024x256xi1>, vector<1024x256xi32>
    %select_n3A_86 = arith.select %lt3A_80, %dot_general3A_76, %select_n3A_70 : vector<1024x256xi1>, vector<1024x256xf32>
    %select_n3A_87 = arith.select %lt3A_80, %add3A_79, %select_n3A_71 : vector<1024x256xi1>, vector<1024x256xi32>
    %get3A_88 = arith.constant 1536 : index
    %get3A_89 = arith.constant 0 : index
    %get3A_90 = vector.load %arg5[%get3A_88, %get3A_89] : memref<8192x136xf32, #tpu.memory_space<vmem>>, vector<256x136xf32>
    %dot_general3A_91 = arith.constant dense<0.000000e+00> : vector<1024x256xf32>
    %dot_general3A_92 = tpu.matmul %concatenate3A_8, %get3A_90, %dot_general3A_91 {dimension_numbers = #tpu.dot_dimension_numbers<[1], [1], [0], [0], [0, 0, 1, 0], [], []>, transpose_lhs_hint = false} : vector<1024x136xf32>, vector<256x136xf32>, vector<1024x256xf32> -> vector<1024x256xf32>
    %add3A_93 = arith.constant 1536 : i32
    %add3A_94 = vector.broadcast %add3A_93 : i32 to vector<1024x256xi32>
    %add3A_95 = arith.addi %iota3A, %add3A_94 : vector<1024x256xi32>
    %lt3A_96 = arith.cmpf olt, %dot_general3A_92, %select_n3A_86 : vector<1024x256xf32>
    %lt3A_97 = arith.cmpf olt, %dot_general3A_92, %select_n3A_83 : vector<1024x256xf32>
    %select_n3A_98 = arith.select %lt3A_97, %dot_general3A_92, %select_n3A_83 : vector<1024x256xi1>, vector<1024x256xf32>
    %select_n3A_99 = arith.select %lt3A_96, %select_n3A_86, %select_n3A_98 : vector<1024x256xi1>, vector<1024x256xf32>
    %select_n3A_100 = arith.select %lt3A_97, %add3A_95, %select_n3A_85 : vector<1024x256xi1>, vector<1024x256xi32>
    %select_n3A_101 = arith.select %lt3A_96, %select_n3A_87, %select_n3A_100 : vector<1024x256xi1>, vector<1024x256xi32>
    %select_n3A_102 = arith.select %lt3A_96, %dot_general3A_92, %select_n3A_86 : vector<1024x256xi1>, vector<1024x256xf32>
    %select_n3A_103 = arith.select %lt3A_96, %add3A_95, %select_n3A_87 : vector<1024x256xi1>, vector<1024x256xi32>
    %get3A_104 = arith.constant 1792 : index
    %get3A_105 = arith.constant 0 : index
    %get3A_106 = vector.load %arg5[%get3A_104, %get3A_105] : memref<8192x136xf32, #tpu.memory_space<vmem>>, vector<256x136xf32>
    %dot_general3A_107 = arith.constant dense<0.000000e+00> : vector<1024x256xf32>
    %dot_general3A_108 = tpu.matmul %concatenate3A_8, %get3A_106, %dot_general3A_107 {dimension_numbers = #tpu.dot_dimension_numbers<[1], [1], [0], [0], [0, 0, 1, 0], [], []>, transpose_lhs_hint = false} : vector<1024x136xf32>, vector<256x136xf32>, vector<1024x256xf32> -> vector<1024x256xf32>
    %add3A_109 = arith.constant 1792 : i32
    %add3A_110 = vector.broadcast %add3A_109 : i32 to vector<1024x256xi32>
    %add3A_111 = arith.addi %iota3A, %add3A_110 : vector<1024x256xi32>
    %lt3A_112 = arith.cmpf olt, %dot_general3A_108, %select_n3A_102 : vector<1024x256xf32>
    %lt3A_113 = arith.cmpf olt, %dot_general3A_108, %select_n3A_99 : vector<1024x256xf32>
    %select_n3A_114 = arith.select %lt3A_113, %dot_general3A_108, %select_n3A_99 : vector<1024x256xi1>, vector<1024x256xf32>
    %select_n3A_115 = arith.select %lt3A_112, %select_n3A_102, %select_n3A_114 : vector<1024x256xi1>, vector<1024x256xf32>
    %select_n3A_116 = arith.select %lt3A_113, %add3A_111, %select_n3A_101 : vector<1024x256xi1>, vector<1024x256xi32>
    %select_n3A_117 = arith.select %lt3A_112, %select_n3A_103, %select_n3A_116 : vector<1024x256xi1>, vector<1024x256xi32>
    %select_n3A_118 = arith.select %lt3A_112, %dot_general3A_108, %select_n3A_102 : vector<1024x256xi1>, vector<1024x256xf32>
    %select_n3A_119 = arith.select %lt3A_112, %add3A_111, %select_n3A_103 : vector<1024x256xi1>, vector<1024x256xi32>
    %get3A_120 = arith.constant 2048 : index
    %get3A_121 = arith.constant 0 : index
    %get3A_122 = vector.load %arg5[%get3A_120, %get3A_121] : memref<8192x136xf32, #tpu.memory_space<vmem>>, vector<256x136xf32>
    %dot_general3A_123 = arith.constant dense<0.000000e+00> : vector<1024x256xf32>
    %dot_general3A_124 = tpu.matmul %concatenate3A_8, %get3A_122, %dot_general3A_123 {dimension_numbers = #tpu.dot_dimension_numbers<[1], [1], [0], [0], [0, 0, 1, 0], [], []>, transpose_lhs_hint = false} : vector<1024x136xf32>, vector<256x136xf32>, vector<1024x256xf32> -> vector<1024x256xf32>
    %add3A_125 = arith.constant 2048 : i32
    %add3A_126 = vector.broadcast %add3A_125 : i32 to vector<1024x256xi32>
    %add3A_127 = arith.addi %iota3A, %add3A_126 : vector<1024x256xi32>
    %lt3A_128 = arith.cmpf olt, %dot_general3A_124, %select_n3A_118 : vector<1024x256xf32>
    %lt3A_129 = arith.cmpf olt, %dot_general3A_124, %select_n3A_115 : vector<1024x256xf32>
    %select_n3A_130 = arith.select %lt3A_129, %dot_general3A_124, %select_n3A_115 : vector<1024x256xi1>, vector<1024x256xf32>
    %select_n3A_131 = arith.select %lt3A_128, %select_n3A_118, %select_n3A_130 : vector<1024x256xi1>, vector<1024x256xf32>
    %select_n3A_132 = arith.select %lt3A_129, %add3A_127, %select_n3A_117 : vector<1024x256xi1>, vector<1024x256xi32>
    %select_n3A_133 = arith.select %lt3A_128, %select_n3A_119, %select_n3A_132 : vector<1024x256xi1>, vector<1024x256xi32>
    %select_n3A_134 = arith.select %lt3A_128, %dot_general3A_124, %select_n3A_118 : vector<1024x256xi1>, vector<1024x256xf32>
    %select_n3A_135 = arith.select %lt3A_128, %add3A_127, %select_n3A_119 : vector<1024x256xi1>, vector<1024x256xi32>
    %get3A_136 = arith.constant 2304 : index
    %get3A_137 = arith.constant 0 : index
    %get3A_138 = vector.load %arg5[%get3A_136, %get3A_137] : memref<8192x136xf32, #tpu.memory_space<vmem>>, vector<256x136xf32>
    %dot_general3A_139 = arith.constant dense<0.000000e+00> : vector<1024x256xf32>
    %dot_general3A_140 = tpu.matmul %concatenate3A_8, %get3A_138, %dot_general3A_139 {dimension_numbers = #tpu.dot_dimension_numbers<[1], [1], [0], [0], [0, 0, 1, 0], [], []>, transpose_lhs_hint = false} : vector<1024x136xf32>, vector<256x136xf32>, vector<1024x256xf32> -> vector<1024x256xf32>
    %add3A_141 = arith.constant 2304 : i32
    %add3A_142 = vector.broadcast %add3A_141 : i32 to vector<1024x256xi32>
    %add3A_143 = arith.addi %iota3A, %add3A_142 : vector<1024x256xi32>
    %lt3A_144 = arith.cmpf olt, %dot_general3A_140, %select_n3A_134 : vector<1024x256xf32>
    %lt3A_145 = arith.cmpf olt, %dot_general3A_140, %select_n3A_131 : vector<1024x256xf32>
    %select_n3A_146 = arith.select %lt3A_145, %dot_general3A_140, %select_n3A_131 : vector<1024x256xi1>, vector<1024x256xf32>
    %select_n3A_147 = arith.select %lt3A_144, %select_n3A_134, %select_n3A_146 : vector<1024x256xi1>, vector<1024x256xf32>
    %select_n3A_148 = arith.select %lt3A_145, %add3A_143, %select_n3A_133 : vector<1024x256xi1>, vector<1024x256xi32>
    %select_n3A_149 = arith.select %lt3A_144, %select_n3A_135, %select_n3A_148 : vector<1024x256xi1>, vector<1024x256xi32>
    %select_n3A_150 = arith.select %lt3A_144, %dot_general3A_140, %select_n3A_134 : vector<1024x256xi1>, vector<1024x256xf32>
    %select_n3A_151 = arith.select %lt3A_144, %add3A_143, %select_n3A_135 : vector<1024x256xi1>, vector<1024x256xi32>
    %get3A_152 = arith.constant 2560 : index
    %get3A_153 = arith.constant 0 : index
    %get3A_154 = vector.load %arg5[%get3A_152, %get3A_153] : memref<8192x136xf32, #tpu.memory_space<vmem>>, vector<256x136xf32>
    %dot_general3A_155 = arith.constant dense<0.000000e+00> : vector<1024x256xf32>
    %dot_general3A_156 = tpu.matmul %concatenate3A_8, %get3A_154, %dot_general3A_155 {dimension_numbers = #tpu.dot_dimension_numbers<[1], [1], [0], [0], [0, 0, 1, 0], [], []>, transpose_lhs_hint = false} : vector<1024x136xf32>, vector<256x136xf32>, vector<1024x256xf32> -> vector<1024x256xf32>
    %add3A_157 = arith.constant 2560 : i32
    %add3A_158 = vector.broadcast %add3A_157 : i32 to vector<1024x256xi32>
    %add3A_159 = arith.addi %iota3A, %add3A_158 : vector<1024x256xi32>
    %lt3A_160 = arith.cmpf olt, %dot_general3A_156, %select_n3A_150 : vector<1024x256xf32>
    %lt3A_161 = arith.cmpf olt, %dot_general3A_156, %select_n3A_147 : vector<1024x256xf32>
    %select_n3A_162 = arith.select %lt3A_161, %dot_general3A_156, %select_n3A_147 : vector<1024x256xi1>, vector<1024x256xf32>
    %select_n3A_163 = arith.select %lt3A_160, %select_n3A_150, %select_n3A_162 : vector<1024x256xi1>, vector<1024x256xf32>
    %select_n3A_164 = arith.select %lt3A_161, %add3A_159, %select_n3A_149 : vector<1024x256xi1>, vector<1024x256xi32>
    %select_n3A_165 = arith.select %lt3A_160, %select_n3A_151, %select_n3A_164 : vector<1024x256xi1>, vector<1024x256xi32>
    %select_n3A_166 = arith.select %lt3A_160, %dot_general3A_156, %select_n3A_150 : vector<1024x256xi1>, vector<1024x256xf32>
    %select_n3A_167 = arith.select %lt3A_160, %add3A_159, %select_n3A_151 : vector<1024x256xi1>, vector<1024x256xi32>
    %get3A_168 = arith.constant 2816 : index
    %get3A_169 = arith.constant 0 : index
    %get3A_170 = vector.load %arg5[%get3A_168, %get3A_169] : memref<8192x136xf32, #tpu.memory_space<vmem>>, vector<256x136xf32>
    %dot_general3A_171 = arith.constant dense<0.000000e+00> : vector<1024x256xf32>
    %dot_general3A_172 = tpu.matmul %concatenate3A_8, %get3A_170, %dot_general3A_171 {dimension_numbers = #tpu.dot_dimension_numbers<[1], [1], [0], [0], [0, 0, 1, 0], [], []>, transpose_lhs_hint = false} : vector<1024x136xf32>, vector<256x136xf32>, vector<1024x256xf32> -> vector<1024x256xf32>
    %add3A_173 = arith.constant 2816 : i32
    %add3A_174 = vector.broadcast %add3A_173 : i32 to vector<1024x256xi32>
    %add3A_175 = arith.addi %iota3A, %add3A_174 : vector<1024x256xi32>
    %lt3A_176 = arith.cmpf olt, %dot_general3A_172, %select_n3A_166 : vector<1024x256xf32>
    %lt3A_177 = arith.cmpf olt, %dot_general3A_172, %select_n3A_163 : vector<1024x256xf32>
    %select_n3A_178 = arith.select %lt3A_177, %dot_general3A_172, %select_n3A_163 : vector<1024x256xi1>, vector<1024x256xf32>
    %select_n3A_179 = arith.select %lt3A_176, %select_n3A_166, %select_n3A_178 : vector<1024x256xi1>, vector<1024x256xf32>
    %select_n3A_180 = arith.select %lt3A_177, %add3A_175, %select_n3A_165 : vector<1024x256xi1>, vector<1024x256xi32>
    %select_n3A_181 = arith.select %lt3A_176, %select_n3A_167, %select_n3A_180 : vector<1024x256xi1>, vector<1024x256xi32>
    %select_n3A_182 = arith.select %lt3A_176, %dot_general3A_172, %select_n3A_166 : vector<1024x256xi1>, vector<1024x256xf32>
    %select_n3A_183 = arith.select %lt3A_176, %add3A_175, %select_n3A_167 : vector<1024x256xi1>, vector<1024x256xi32>
    %get3A_184 = arith.constant 3072 : index
    %get3A_185 = arith.constant 0 : index
    %get3A_186 = vector.load %arg5[%get3A_184, %get3A_185] : memref<8192x136xf32, #tpu.memory_space<vmem>>, vector<256x136xf32>
    %dot_general3A_187 = arith.constant dense<0.000000e+00> : vector<1024x256xf32>
    %dot_general3A_188 = tpu.matmul %concatenate3A_8, %get3A_186, %dot_general3A_187 {dimension_numbers = #tpu.dot_dimension_numbers<[1], [1], [0], [0], [0, 0, 1, 0], [], []>, transpose_lhs_hint = false} : vector<1024x136xf32>, vector<256x136xf32>, vector<1024x256xf32> -> vector<1024x256xf32>
    %add3A_189 = arith.constant 3072 : i32
    %add3A_190 = vector.broadcast %add3A_189 : i32 to vector<1024x256xi32>
    %add3A_191 = arith.addi %iota3A, %add3A_190 : vector<1024x256xi32>
    %lt3A_192 = arith.cmpf olt, %dot_general3A_188, %select_n3A_182 : vector<1024x256xf32>
    %lt3A_193 = arith.cmpf olt, %dot_general3A_188, %select_n3A_179 : vector<1024x256xf32>
    %select_n3A_194 = arith.select %lt3A_193, %dot_general3A_188, %select_n3A_179 : vector<1024x256xi1>, vector<1024x256xf32>
    %select_n3A_195 = arith.select %lt3A_192, %select_n3A_182, %select_n3A_194 : vector<1024x256xi1>, vector<1024x256xf32>
    %select_n3A_196 = arith.select %lt3A_193, %add3A_191, %select_n3A_181 : vector<1024x256xi1>, vector<1024x256xi32>
    %select_n3A_197 = arith.select %lt3A_192, %select_n3A_183, %select_n3A_196 : vector<1024x256xi1>, vector<1024x256xi32>
    %select_n3A_198 = arith.select %lt3A_192, %dot_general3A_188, %select_n3A_182 : vector<1024x256xi1>, vector<1024x256xf32>
    %select_n3A_199 = arith.select %lt3A_192, %add3A_191, %select_n3A_183 : vector<1024x256xi1>, vector<1024x256xi32>
    %get3A_200 = arith.constant 3328 : index
    %get3A_201 = arith.constant 0 : index
    %get3A_202 = vector.load %arg5[%get3A_200, %get3A_201] : memref<8192x136xf32, #tpu.memory_space<vmem>>, vector<256x136xf32>
    %dot_general3A_203 = arith.constant dense<0.000000e+00> : vector<1024x256xf32>
    %dot_general3A_204 = tpu.matmul %concatenate3A_8, %get3A_202, %dot_general3A_203 {dimension_numbers = #tpu.dot_dimension_numbers<[1], [1], [0], [0], [0, 0, 1, 0], [], []>, transpose_lhs_hint = false} : vector<1024x136xf32>, vector<256x136xf32>, vector<1024x256xf32> -> vector<1024x256xf32>
    %add3A_205 = arith.constant 3328 : i32
    %add3A_206 = vector.broadcast %add3A_205 : i32 to vector<1024x256xi32>
    %add3A_207 = arith.addi %iota3A, %add3A_206 : vector<1024x256xi32>
    %lt3A_208 = arith.cmpf olt, %dot_general3A_204, %select_n3A_198 : vector<1024x256xf32>
    %lt3A_209 = arith.cmpf olt, %dot_general3A_204, %select_n3A_195 : vector<1024x256xf32>
    %select_n3A_210 = arith.select %lt3A_209, %dot_general3A_204, %select_n3A_195 : vector<1024x256xi1>, vector<1024x256xf32>
    %select_n3A_211 = arith.select %lt3A_208, %select_n3A_198, %select_n3A_210 : vector<1024x256xi1>, vector<1024x256xf32>
    %select_n3A_212 = arith.select %lt3A_209, %add3A_207, %select_n3A_197 : vector<1024x256xi1>, vector<1024x256xi32>
    %select_n3A_213 = arith.select %lt3A_208, %select_n3A_199, %select_n3A_212 : vector<1024x256xi1>, vector<1024x256xi32>
    %select_n3A_214 = arith.select %lt3A_208, %dot_general3A_204, %select_n3A_198 : vector<1024x256xi1>, vector<1024x256xf32>
    %select_n3A_215 = arith.select %lt3A_208, %add3A_207, %select_n3A_199 : vector<1024x256xi1>, vector<1024x256xi32>
    %get3A_216 = arith.constant 3584 : index
    %get3A_217 = arith.constant 0 : index
    %get3A_218 = vector.load %arg5[%get3A_216, %get3A_217] : memref<8192x136xf32, #tpu.memory_space<vmem>>, vector<256x136xf32>
    %dot_general3A_219 = arith.constant dense<0.000000e+00> : vector<1024x256xf32>
    %dot_general3A_220 = tpu.matmul %concatenate3A_8, %get3A_218, %dot_general3A_219 {dimension_numbers = #tpu.dot_dimension_numbers<[1], [1], [0], [0], [0, 0, 1, 0], [], []>, transpose_lhs_hint = false} : vector<1024x136xf32>, vector<256x136xf32>, vector<1024x256xf32> -> vector<1024x256xf32>
    %add3A_221 = arith.constant 3584 : i32
    %add3A_222 = vector.broadcast %add3A_221 : i32 to vector<1024x256xi32>
    %add3A_223 = arith.addi %iota3A, %add3A_222 : vector<1024x256xi32>
    %lt3A_224 = arith.cmpf olt, %dot_general3A_220, %select_n3A_214 : vector<1024x256xf32>
    %lt3A_225 = arith.cmpf olt, %dot_general3A_220, %select_n3A_211 : vector<1024x256xf32>
    %select_n3A_226 = arith.select %lt3A_225, %dot_general3A_220, %select_n3A_211 : vector<1024x256xi1>, vector<1024x256xf32>
    %select_n3A_227 = arith.select %lt3A_224, %select_n3A_214, %select_n3A_226 : vector<1024x256xi1>, vector<1024x256xf32>
    %select_n3A_228 = arith.select %lt3A_225, %add3A_223, %select_n3A_213 : vector<1024x256xi1>, vector<1024x256xi32>
    %select_n3A_229 = arith.select %lt3A_224, %select_n3A_215, %select_n3A_228 : vector<1024x256xi1>, vector<1024x256xi32>
    %select_n3A_230 = arith.select %lt3A_224, %dot_general3A_220, %select_n3A_214 : vector<1024x256xi1>, vector<1024x256xf32>
    %select_n3A_231 = arith.select %lt3A_224, %add3A_223, %select_n3A_215 : vector<1024x256xi1>, vector<1024x256xi32>
    %get3A_232 = arith.constant 3840 : index
    %get3A_233 = arith.constant 0 : index
    %get3A_234 = vector.load %arg5[%get3A_232, %get3A_233] : memref<8192x136xf32, #tpu.memory_space<vmem>>, vector<256x136xf32>
    %dot_general3A_235 = arith.constant dense<0.000000e+00> : vector<1024x256xf32>
    %dot_general3A_236 = tpu.matmul %concatenate3A_8, %get3A_234, %dot_general3A_235 {dimension_numbers = #tpu.dot_dimension_numbers<[1], [1], [0], [0], [0, 0, 1, 0], [], []>, transpose_lhs_hint = false} : vector<1024x136xf32>, vector<256x136xf32>, vector<1024x256xf32> -> vector<1024x256xf32>
    %add3A_237 = arith.constant 3840 : i32
    %add3A_238 = vector.broadcast %add3A_237 : i32 to vector<1024x256xi32>
    %add3A_239 = arith.addi %iota3A, %add3A_238 : vector<1024x256xi32>
    %lt3A_240 = arith.cmpf olt, %dot_general3A_236, %select_n3A_230 : vector<1024x256xf32>
    %lt3A_241 = arith.cmpf olt, %dot_general3A_236, %select_n3A_227 : vector<1024x256xf32>
    %select_n3A_242 = arith.select %lt3A_241, %dot_general3A_236, %select_n3A_227 : vector<1024x256xi1>, vector<1024x256xf32>
    %select_n3A_243 = arith.select %lt3A_240, %select_n3A_230, %select_n3A_242 : vector<1024x256xi1>, vector<1024x256xf32>
    %select_n3A_244 = arith.select %lt3A_241, %add3A_239, %select_n3A_229 : vector<1024x256xi1>, vector<1024x256xi32>
    %select_n3A_245 = arith.select %lt3A_240, %select_n3A_231, %select_n3A_244 : vector<1024x256xi1>, vector<1024x256xi32>
    %select_n3A_246 = arith.select %lt3A_240, %dot_general3A_236, %select_n3A_230 : vector<1024x256xi1>, vector<1024x256xf32>
    %select_n3A_247 = arith.select %lt3A_240, %add3A_239, %select_n3A_231 : vector<1024x256xi1>, vector<1024x256xi32>
    %get3A_248 = arith.constant 4096 : index
    %get3A_249 = arith.constant 0 : index
    %get3A_250 = vector.load %arg5[%get3A_248, %get3A_249] : memref<8192x136xf32, #tpu.memory_space<vmem>>, vector<256x136xf32>
    %dot_general3A_251 = arith.constant dense<0.000000e+00> : vector<1024x256xf32>
    %dot_general3A_252 = tpu.matmul %concatenate3A_8, %get3A_250, %dot_general3A_251 {dimension_numbers = #tpu.dot_dimension_numbers<[1], [1], [0], [0], [0, 0, 1, 0], [], []>, transpose_lhs_hint = false} : vector<1024x136xf32>, vector<256x136xf32>, vector<1024x256xf32> -> vector<1024x256xf32>
    %add3A_253 = arith.constant 4096 : i32
    %add3A_254 = vector.broadcast %add3A_253 : i32 to vector<1024x256xi32>
    %add3A_255 = arith.addi %iota3A, %add3A_254 : vector<1024x256xi32>
    %lt3A_256 = arith.cmpf olt, %dot_general3A_252, %select_n3A_246 : vector<1024x256xf32>
    %lt3A_257 = arith.cmpf olt, %dot_general3A_252, %select_n3A_243 : vector<1024x256xf32>
    %select_n3A_258 = arith.select %lt3A_257, %dot_general3A_252, %select_n3A_243 : vector<1024x256xi1>, vector<1024x256xf32>
    %select_n3A_259 = arith.select %lt3A_256, %select_n3A_246, %select_n3A_258 : vector<1024x256xi1>, vector<1024x256xf32>
    %select_n3A_260 = arith.select %lt3A_257, %add3A_255, %select_n3A_245 : vector<1024x256xi1>, vector<1024x256xi32>
    %select_n3A_261 = arith.select %lt3A_256, %select_n3A_247, %select_n3A_260 : vector<1024x256xi1>, vector<1024x256xi32>
    %select_n3A_262 = arith.select %lt3A_256, %dot_general3A_252, %select_n3A_246 : vector<1024x256xi1>, vector<1024x256xf32>
    %select_n3A_263 = arith.select %lt3A_256, %add3A_255, %select_n3A_247 : vector<1024x256xi1>, vector<1024x256xi32>
    %get3A_264 = arith.constant 4352 : index
    %get3A_265 = arith.constant 0 : index
    %get3A_266 = vector.load %arg5[%get3A_264, %get3A_265] : memref<8192x136xf32, #tpu.memory_space<vmem>>, vector<256x136xf32>
    %dot_general3A_267 = arith.constant dense<0.000000e+00> : vector<1024x256xf32>
    %dot_general3A_268 = tpu.matmul %concatenate3A_8, %get3A_266, %dot_general3A_267 {dimension_numbers = #tpu.dot_dimension_numbers<[1], [1], [0], [0], [0, 0, 1, 0], [], []>, transpose_lhs_hint = false} : vector<1024x136xf32>, vector<256x136xf32>, vector<1024x256xf32> -> vector<1024x256xf32>
    %add3A_269 = arith.constant 4352 : i32
    %add3A_270 = vector.broadcast %add3A_269 : i32 to vector<1024x256xi32>
    %add3A_271 = arith.addi %iota3A, %add3A_270 : vector<1024x256xi32>
    %lt3A_272 = arith.cmpf olt, %dot_general3A_268, %select_n3A_262 : vector<1024x256xf32>
    %lt3A_273 = arith.cmpf olt, %dot_general3A_268, %select_n3A_259 : vector<1024x256xf32>
    %select_n3A_274 = arith.select %lt3A_273, %dot_general3A_268, %select_n3A_259 : vector<1024x256xi1>, vector<1024x256xf32>
    %select_n3A_275 = arith.select %lt3A_272, %select_n3A_262, %select_n3A_274 : vector<1024x256xi1>, vector<1024x256xf32>
    %select_n3A_276 = arith.select %lt3A_273, %add3A_271, %select_n3A_261 : vector<1024x256xi1>, vector<1024x256xi32>
    %select_n3A_277 = arith.select %lt3A_272, %select_n3A_263, %select_n3A_276 : vector<1024x256xi1>, vector<1024x256xi32>
    %select_n3A_278 = arith.select %lt3A_272, %dot_general3A_268, %select_n3A_262 : vector<1024x256xi1>, vector<1024x256xf32>
    %select_n3A_279 = arith.select %lt3A_272, %add3A_271, %select_n3A_263 : vector<1024x256xi1>, vector<1024x256xi32>
    %get3A_280 = arith.constant 4608 : index
    %get3A_281 = arith.constant 0 : index
    %get3A_282 = vector.load %arg5[%get3A_280, %get3A_281] : memref<8192x136xf32, #tpu.memory_space<vmem>>, vector<256x136xf32>
    %dot_general3A_283 = arith.constant dense<0.000000e+00> : vector<1024x256xf32>
    %dot_general3A_284 = tpu.matmul %concatenate3A_8, %get3A_282, %dot_general3A_283 {dimension_numbers = #tpu.dot_dimension_numbers<[1], [1], [0], [0], [0, 0, 1, 0], [], []>, transpose_lhs_hint = false} : vector<1024x136xf32>, vector<256x136xf32>, vector<1024x256xf32> -> vector<1024x256xf32>
    %add3A_285 = arith.constant 4608 : i32
    %add3A_286 = vector.broadcast %add3A_285 : i32 to vector<1024x256xi32>
    %add3A_287 = arith.addi %iota3A, %add3A_286 : vector<1024x256xi32>
    %lt3A_288 = arith.cmpf olt, %dot_general3A_284, %select_n3A_278 : vector<1024x256xf32>
    %lt3A_289 = arith.cmpf olt, %dot_general3A_284, %select_n3A_275 : vector<1024x256xf32>
    %select_n3A_290 = arith.select %lt3A_289, %dot_general3A_284, %select_n3A_275 : vector<1024x256xi1>, vector<1024x256xf32>
    %select_n3A_291 = arith.select %lt3A_288, %select_n3A_278, %select_n3A_290 : vector<1024x256xi1>, vector<1024x256xf32>
    %select_n3A_292 = arith.select %lt3A_289, %add3A_287, %select_n3A_277 : vector<1024x256xi1>, vector<1024x256xi32>
    %select_n3A_293 = arith.select %lt3A_288, %select_n3A_279, %select_n3A_292 : vector<1024x256xi1>, vector<1024x256xi32>
    %select_n3A_294 = arith.select %lt3A_288, %dot_general3A_284, %select_n3A_278 : vector<1024x256xi1>, vector<1024x256xf32>
    %select_n3A_295 = arith.select %lt3A_288, %add3A_287, %select_n3A_279 : vector<1024x256xi1>, vector<1024x256xi32>
    %get3A_296 = arith.constant 4864 : index
    %get3A_297 = arith.constant 0 : index
    %get3A_298 = vector.load %arg5[%get3A_296, %get3A_297] : memref<8192x136xf32, #tpu.memory_space<vmem>>, vector<256x136xf32>
    %dot_general3A_299 = arith.constant dense<0.000000e+00> : vector<1024x256xf32>
    %dot_general3A_300 = tpu.matmul %concatenate3A_8, %get3A_298, %dot_general3A_299 {dimension_numbers = #tpu.dot_dimension_numbers<[1], [1], [0], [0], [0, 0, 1, 0], [], []>, transpose_lhs_hint = false} : vector<1024x136xf32>, vector<256x136xf32>, vector<1024x256xf32> -> vector<1024x256xf32>
    %add3A_301 = arith.constant 4864 : i32
    %add3A_302 = vector.broadcast %add3A_301 : i32 to vector<1024x256xi32>
    %add3A_303 = arith.addi %iota3A, %add3A_302 : vector<1024x256xi32>
    %lt3A_304 = arith.cmpf olt, %dot_general3A_300, %select_n3A_294 : vector<1024x256xf32>
    %lt3A_305 = arith.cmpf olt, %dot_general3A_300, %select_n3A_291 : vector<1024x256xf32>
    %select_n3A_306 = arith.select %lt3A_305, %dot_general3A_300, %select_n3A_291 : vector<1024x256xi1>, vector<1024x256xf32>
    %select_n3A_307 = arith.select %lt3A_304, %select_n3A_294, %select_n3A_306 : vector<1024x256xi1>, vector<1024x256xf32>
    %select_n3A_308 = arith.select %lt3A_305, %add3A_303, %select_n3A_293 : vector<1024x256xi1>, vector<1024x256xi32>
    %select_n3A_309 = arith.select %lt3A_304, %select_n3A_295, %select_n3A_308 : vector<1024x256xi1>, vector<1024x256xi32>
    %select_n3A_310 = arith.select %lt3A_304, %dot_general3A_300, %select_n3A_294 : vector<1024x256xi1>, vector<1024x256xf32>
    %select_n3A_311 = arith.select %lt3A_304, %add3A_303, %select_n3A_295 : vector<1024x256xi1>, vector<1024x256xi32>
    %get3A_312 = arith.constant 5120 : index
    %get3A_313 = arith.constant 0 : index
    %get3A_314 = vector.load %arg5[%get3A_312, %get3A_313] : memref<8192x136xf32, #tpu.memory_space<vmem>>, vector<256x136xf32>
    %dot_general3A_315 = arith.constant dense<0.000000e+00> : vector<1024x256xf32>
    %dot_general3A_316 = tpu.matmul %concatenate3A_8, %get3A_314, %dot_general3A_315 {dimension_numbers = #tpu.dot_dimension_numbers<[1], [1], [0], [0], [0, 0, 1, 0], [], []>, transpose_lhs_hint = false} : vector<1024x136xf32>, vector<256x136xf32>, vector<1024x256xf32> -> vector<1024x256xf32>
    %add3A_317 = arith.constant 5120 : i32
    %add3A_318 = vector.broadcast %add3A_317 : i32 to vector<1024x256xi32>
    %add3A_319 = arith.addi %iota3A, %add3A_318 : vector<1024x256xi32>
    %lt3A_320 = arith.cmpf olt, %dot_general3A_316, %select_n3A_310 : vector<1024x256xf32>
    %lt3A_321 = arith.cmpf olt, %dot_general3A_316, %select_n3A_307 : vector<1024x256xf32>
    %select_n3A_322 = arith.select %lt3A_321, %dot_general3A_316, %select_n3A_307 : vector<1024x256xi1>, vector<1024x256xf32>
    %select_n3A_323 = arith.select %lt3A_320, %select_n3A_310, %select_n3A_322 : vector<1024x256xi1>, vector<1024x256xf32>
    %select_n3A_324 = arith.select %lt3A_321, %add3A_319, %select_n3A_309 : vector<1024x256xi1>, vector<1024x256xi32>
    %select_n3A_325 = arith.select %lt3A_320, %select_n3A_311, %select_n3A_324 : vector<1024x256xi1>, vector<1024x256xi32>
    %select_n3A_326 = arith.select %lt3A_320, %dot_general3A_316, %select_n3A_310 : vector<1024x256xi1>, vector<1024x256xf32>
    %select_n3A_327 = arith.select %lt3A_320, %add3A_319, %select_n3A_311 : vector<1024x256xi1>, vector<1024x256xi32>
    %get3A_328 = arith.constant 5376 : index
    %get3A_329 = arith.constant 0 : index
    %get3A_330 = vector.load %arg5[%get3A_328, %get3A_329] : memref<8192x136xf32, #tpu.memory_space<vmem>>, vector<256x136xf32>
    %dot_general3A_331 = arith.constant dense<0.000000e+00> : vector<1024x256xf32>
    %dot_general3A_332 = tpu.matmul %concatenate3A_8, %get3A_330, %dot_general3A_331 {dimension_numbers = #tpu.dot_dimension_numbers<[1], [1], [0], [0], [0, 0, 1, 0], [], []>, transpose_lhs_hint = false} : vector<1024x136xf32>, vector<256x136xf32>, vector<1024x256xf32> -> vector<1024x256xf32>
    %add3A_333 = arith.constant 5376 : i32
    %add3A_334 = vector.broadcast %add3A_333 : i32 to vector<1024x256xi32>
    %add3A_335 = arith.addi %iota3A, %add3A_334 : vector<1024x256xi32>
    %lt3A_336 = arith.cmpf olt, %dot_general3A_332, %select_n3A_326 : vector<1024x256xf32>
    %lt3A_337 = arith.cmpf olt, %dot_general3A_332, %select_n3A_323 : vector<1024x256xf32>
    %select_n3A_338 = arith.select %lt3A_337, %dot_general3A_332, %select_n3A_323 : vector<1024x256xi1>, vector<1024x256xf32>
    %select_n3A_339 = arith.select %lt3A_336, %select_n3A_326, %select_n3A_338 : vector<1024x256xi1>, vector<1024x256xf32>
    %select_n3A_340 = arith.select %lt3A_337, %add3A_335, %select_n3A_325 : vector<1024x256xi1>, vector<1024x256xi32>
    %select_n3A_341 = arith.select %lt3A_336, %select_n3A_327, %select_n3A_340 : vector<1024x256xi1>, vector<1024x256xi32>
    %select_n3A_342 = arith.select %lt3A_336, %dot_general3A_332, %select_n3A_326 : vector<1024x256xi1>, vector<1024x256xf32>
    %select_n3A_343 = arith.select %lt3A_336, %add3A_335, %select_n3A_327 : vector<1024x256xi1>, vector<1024x256xi32>
    %get3A_344 = arith.constant 5632 : index
    %get3A_345 = arith.constant 0 : index
    %get3A_346 = vector.load %arg5[%get3A_344, %get3A_345] : memref<8192x136xf32, #tpu.memory_space<vmem>>, vector<256x136xf32>
    %dot_general3A_347 = arith.constant dense<0.000000e+00> : vector<1024x256xf32>
    %dot_general3A_348 = tpu.matmul %concatenate3A_8, %get3A_346, %dot_general3A_347 {dimension_numbers = #tpu.dot_dimension_numbers<[1], [1], [0], [0], [0, 0, 1, 0], [], []>, transpose_lhs_hint = false} : vector<1024x136xf32>, vector<256x136xf32>, vector<1024x256xf32> -> vector<1024x256xf32>
    %add3A_349 = arith.constant 5632 : i32
    %add3A_350 = vector.broadcast %add3A_349 : i32 to vector<1024x256xi32>
    %add3A_351 = arith.addi %iota3A, %add3A_350 : vector<1024x256xi32>
    %lt3A_352 = arith.cmpf olt, %dot_general3A_348, %select_n3A_342 : vector<1024x256xf32>
    %lt3A_353 = arith.cmpf olt, %dot_general3A_348, %select_n3A_339 : vector<1024x256xf32>
    %select_n3A_354 = arith.select %lt3A_353, %dot_general3A_348, %select_n3A_339 : vector<1024x256xi1>, vector<1024x256xf32>
    %select_n3A_355 = arith.select %lt3A_352, %select_n3A_342, %select_n3A_354 : vector<1024x256xi1>, vector<1024x256xf32>
    %select_n3A_356 = arith.select %lt3A_353, %add3A_351, %select_n3A_341 : vector<1024x256xi1>, vector<1024x256xi32>
    %select_n3A_357 = arith.select %lt3A_352, %select_n3A_343, %select_n3A_356 : vector<1024x256xi1>, vector<1024x256xi32>
    %select_n3A_358 = arith.select %lt3A_352, %dot_general3A_348, %select_n3A_342 : vector<1024x256xi1>, vector<1024x256xf32>
    %select_n3A_359 = arith.select %lt3A_352, %add3A_351, %select_n3A_343 : vector<1024x256xi1>, vector<1024x256xi32>
    %get3A_360 = arith.constant 5888 : index
    %get3A_361 = arith.constant 0 : index
    %get3A_362 = vector.load %arg5[%get3A_360, %get3A_361] : memref<8192x136xf32, #tpu.memory_space<vmem>>, vector<256x136xf32>
    %dot_general3A_363 = arith.constant dense<0.000000e+00> : vector<1024x256xf32>
    %dot_general3A_364 = tpu.matmul %concatenate3A_8, %get3A_362, %dot_general3A_363 {dimension_numbers = #tpu.dot_dimension_numbers<[1], [1], [0], [0], [0, 0, 1, 0], [], []>, transpose_lhs_hint = false} : vector<1024x136xf32>, vector<256x136xf32>, vector<1024x256xf32> -> vector<1024x256xf32>
    %add3A_365 = arith.constant 5888 : i32
    %add3A_366 = vector.broadcast %add3A_365 : i32 to vector<1024x256xi32>
    %add3A_367 = arith.addi %iota3A, %add3A_366 : vector<1024x256xi32>
    %lt3A_368 = arith.cmpf olt, %dot_general3A_364, %select_n3A_358 : vector<1024x256xf32>
    %lt3A_369 = arith.cmpf olt, %dot_general3A_364, %select_n3A_355 : vector<1024x256xf32>
    %select_n3A_370 = arith.select %lt3A_369, %dot_general3A_364, %select_n3A_355 : vector<1024x256xi1>, vector<1024x256xf32>
    %select_n3A_371 = arith.select %lt3A_368, %select_n3A_358, %select_n3A_370 : vector<1024x256xi1>, vector<1024x256xf32>
    %select_n3A_372 = arith.select %lt3A_369, %add3A_367, %select_n3A_357 : vector<1024x256xi1>, vector<1024x256xi32>
    %select_n3A_373 = arith.select %lt3A_368, %select_n3A_359, %select_n3A_372 : vector<1024x256xi1>, vector<1024x256xi32>
    %select_n3A_374 = arith.select %lt3A_368, %dot_general3A_364, %select_n3A_358 : vector<1024x256xi1>, vector<1024x256xf32>
    %select_n3A_375 = arith.select %lt3A_368, %add3A_367, %select_n3A_359 : vector<1024x256xi1>, vector<1024x256xi32>
    %get3A_376 = arith.constant 6144 : index
    %get3A_377 = arith.constant 0 : index
    %get3A_378 = vector.load %arg5[%get3A_376, %get3A_377] : memref<8192x136xf32, #tpu.memory_space<vmem>>, vector<256x136xf32>
    %dot_general3A_379 = arith.constant dense<0.000000e+00> : vector<1024x256xf32>
    %dot_general3A_380 = tpu.matmul %concatenate3A_8, %get3A_378, %dot_general3A_379 {dimension_numbers = #tpu.dot_dimension_numbers<[1], [1], [0], [0], [0, 0, 1, 0], [], []>, transpose_lhs_hint = false} : vector<1024x136xf32>, vector<256x136xf32>, vector<1024x256xf32> -> vector<1024x256xf32>
    %add3A_381 = arith.constant 6144 : i32
    %add3A_382 = vector.broadcast %add3A_381 : i32 to vector<1024x256xi32>
    %add3A_383 = arith.addi %iota3A, %add3A_382 : vector<1024x256xi32>
    %lt3A_384 = arith.cmpf olt, %dot_general3A_380, %select_n3A_374 : vector<1024x256xf32>
    %lt3A_385 = arith.cmpf olt, %dot_general3A_380, %select_n3A_371 : vector<1024x256xf32>
    %select_n3A_386 = arith.select %lt3A_385, %dot_general3A_380, %select_n3A_371 : vector<1024x256xi1>, vector<1024x256xf32>
    %select_n3A_387 = arith.select %lt3A_384, %select_n3A_374, %select_n3A_386 : vector<1024x256xi1>, vector<1024x256xf32>
    %select_n3A_388 = arith.select %lt3A_385, %add3A_383, %select_n3A_373 : vector<1024x256xi1>, vector<1024x256xi32>
    %select_n3A_389 = arith.select %lt3A_384, %select_n3A_375, %select_n3A_388 : vector<1024x256xi1>, vector<1024x256xi32>
    %select_n3A_390 = arith.select %lt3A_384, %dot_general3A_380, %select_n3A_374 : vector<1024x256xi1>, vector<1024x256xf32>
    %select_n3A_391 = arith.select %lt3A_384, %add3A_383, %select_n3A_375 : vector<1024x256xi1>, vector<1024x256xi32>
    %get3A_392 = arith.constant 6400 : index
    %get3A_393 = arith.constant 0 : index
    %get3A_394 = vector.load %arg5[%get3A_392, %get3A_393] : memref<8192x136xf32, #tpu.memory_space<vmem>>, vector<256x136xf32>
    %dot_general3A_395 = arith.constant dense<0.000000e+00> : vector<1024x256xf32>
    %dot_general3A_396 = tpu.matmul %concatenate3A_8, %get3A_394, %dot_general3A_395 {dimension_numbers = #tpu.dot_dimension_numbers<[1], [1], [0], [0], [0, 0, 1, 0], [], []>, transpose_lhs_hint = false} : vector<1024x136xf32>, vector<256x136xf32>, vector<1024x256xf32> -> vector<1024x256xf32>
    %add3A_397 = arith.constant 6400 : i32
    %add3A_398 = vector.broadcast %add3A_397 : i32 to vector<1024x256xi32>
    %add3A_399 = arith.addi %iota3A, %add3A_398 : vector<1024x256xi32>
    %lt3A_400 = arith.cmpf olt, %dot_general3A_396, %select_n3A_390 : vector<1024x256xf32>
    %lt3A_401 = arith.cmpf olt, %dot_general3A_396, %select_n3A_387 : vector<1024x256xf32>
    %select_n3A_402 = arith.select %lt3A_401, %dot_general3A_396, %select_n3A_387 : vector<1024x256xi1>, vector<1024x256xf32>
    %select_n3A_403 = arith.select %lt3A_400, %select_n3A_390, %select_n3A_402 : vector<1024x256xi1>, vector<1024x256xf32>
    %select_n3A_404 = arith.select %lt3A_401, %add3A_399, %select_n3A_389 : vector<1024x256xi1>, vector<1024x256xi32>
    %select_n3A_405 = arith.select %lt3A_400, %select_n3A_391, %select_n3A_404 : vector<1024x256xi1>, vector<1024x256xi32>
    %select_n3A_406 = arith.select %lt3A_400, %dot_general3A_396, %select_n3A_390 : vector<1024x256xi1>, vector<1024x256xf32>
    %select_n3A_407 = arith.select %lt3A_400, %add3A_399, %select_n3A_391 : vector<1024x256xi1>, vector<1024x256xi32>
    %get3A_408 = arith.constant 6656 : index
    %get3A_409 = arith.constant 0 : index
    %get3A_410 = vector.load %arg5[%get3A_408, %get3A_409] : memref<8192x136xf32, #tpu.memory_space<vmem>>, vector<256x136xf32>
    %dot_general3A_411 = arith.constant dense<0.000000e+00> : vector<1024x256xf32>
    %dot_general3A_412 = tpu.matmul %concatenate3A_8, %get3A_410, %dot_general3A_411 {dimension_numbers = #tpu.dot_dimension_numbers<[1], [1], [0], [0], [0, 0, 1, 0], [], []>, transpose_lhs_hint = false} : vector<1024x136xf32>, vector<256x136xf32>, vector<1024x256xf32> -> vector<1024x256xf32>
    %add3A_413 = arith.constant 6656 : i32
    %add3A_414 = vector.broadcast %add3A_413 : i32 to vector<1024x256xi32>
    %add3A_415 = arith.addi %iota3A, %add3A_414 : vector<1024x256xi32>
    %lt3A_416 = arith.cmpf olt, %dot_general3A_412, %select_n3A_406 : vector<1024x256xf32>
    %lt3A_417 = arith.cmpf olt, %dot_general3A_412, %select_n3A_403 : vector<1024x256xf32>
    %select_n3A_418 = arith.select %lt3A_417, %dot_general3A_412, %select_n3A_403 : vector<1024x256xi1>, vector<1024x256xf32>
    %select_n3A_419 = arith.select %lt3A_416, %select_n3A_406, %select_n3A_418 : vector<1024x256xi1>, vector<1024x256xf32>
    %select_n3A_420 = arith.select %lt3A_417, %add3A_415, %select_n3A_405 : vector<1024x256xi1>, vector<1024x256xi32>
    %select_n3A_421 = arith.select %lt3A_416, %select_n3A_407, %select_n3A_420 : vector<1024x256xi1>, vector<1024x256xi32>
    %select_n3A_422 = arith.select %lt3A_416, %dot_general3A_412, %select_n3A_406 : vector<1024x256xi1>, vector<1024x256xf32>
    %select_n3A_423 = arith.select %lt3A_416, %add3A_415, %select_n3A_407 : vector<1024x256xi1>, vector<1024x256xi32>
    %get3A_424 = arith.constant 6912 : index
    %get3A_425 = arith.constant 0 : index
    %get3A_426 = vector.load %arg5[%get3A_424, %get3A_425] : memref<8192x136xf32, #tpu.memory_space<vmem>>, vector<256x136xf32>
    %dot_general3A_427 = arith.constant dense<0.000000e+00> : vector<1024x256xf32>
    %dot_general3A_428 = tpu.matmul %concatenate3A_8, %get3A_426, %dot_general3A_427 {dimension_numbers = #tpu.dot_dimension_numbers<[1], [1], [0], [0], [0, 0, 1, 0], [], []>, transpose_lhs_hint = false} : vector<1024x136xf32>, vector<256x136xf32>, vector<1024x256xf32> -> vector<1024x256xf32>
    %add3A_429 = arith.constant 6912 : i32
    %add3A_430 = vector.broadcast %add3A_429 : i32 to vector<1024x256xi32>
    %add3A_431 = arith.addi %iota3A, %add3A_430 : vector<1024x256xi32>
    %lt3A_432 = arith.cmpf olt, %dot_general3A_428, %select_n3A_422 : vector<1024x256xf32>
    %lt3A_433 = arith.cmpf olt, %dot_general3A_428, %select_n3A_419 : vector<1024x256xf32>
    %select_n3A_434 = arith.select %lt3A_433, %dot_general3A_428, %select_n3A_419 : vector<1024x256xi1>, vector<1024x256xf32>
    %select_n3A_435 = arith.select %lt3A_432, %select_n3A_422, %select_n3A_434 : vector<1024x256xi1>, vector<1024x256xf32>
    %select_n3A_436 = arith.select %lt3A_433, %add3A_431, %select_n3A_421 : vector<1024x256xi1>, vector<1024x256xi32>
    %select_n3A_437 = arith.select %lt3A_432, %select_n3A_423, %select_n3A_436 : vector<1024x256xi1>, vector<1024x256xi32>
    %select_n3A_438 = arith.select %lt3A_432, %dot_general3A_428, %select_n3A_422 : vector<1024x256xi1>, vector<1024x256xf32>
    %select_n3A_439 = arith.select %lt3A_432, %add3A_431, %select_n3A_423 : vector<1024x256xi1>, vector<1024x256xi32>
    %get3A_440 = arith.constant 7168 : index
    %get3A_441 = arith.constant 0 : index
    %get3A_442 = vector.load %arg5[%get3A_440, %get3A_441] : memref<8192x136xf32, #tpu.memory_space<vmem>>, vector<256x136xf32>
    %dot_general3A_443 = arith.constant dense<0.000000e+00> : vector<1024x256xf32>
    %dot_general3A_444 = tpu.matmul %concatenate3A_8, %get3A_442, %dot_general3A_443 {dimension_numbers = #tpu.dot_dimension_numbers<[1], [1], [0], [0], [0, 0, 1, 0], [], []>, transpose_lhs_hint = false} : vector<1024x136xf32>, vector<256x136xf32>, vector<1024x256xf32> -> vector<1024x256xf32>
    %add3A_445 = arith.constant 7168 : i32
    %add3A_446 = vector.broadcast %add3A_445 : i32 to vector<1024x256xi32>
    %add3A_447 = arith.addi %iota3A, %add3A_446 : vector<1024x256xi32>
    %lt3A_448 = arith.cmpf olt, %dot_general3A_444, %select_n3A_438 : vector<1024x256xf32>
    %lt3A_449 = arith.cmpf olt, %dot_general3A_444, %select_n3A_435 : vector<1024x256xf32>
    %select_n3A_450 = arith.select %lt3A_449, %dot_general3A_444, %select_n3A_435 : vector<1024x256xi1>, vector<1024x256xf32>
    %select_n3A_451 = arith.select %lt3A_448, %select_n3A_438, %select_n3A_450 : vector<1024x256xi1>, vector<1024x256xf32>
    %select_n3A_452 = arith.select %lt3A_449, %add3A_447, %select_n3A_437 : vector<1024x256xi1>, vector<1024x256xi32>
    %select_n3A_453 = arith.select %lt3A_448, %select_n3A_439, %select_n3A_452 : vector<1024x256xi1>, vector<1024x256xi32>
    %select_n3A_454 = arith.select %lt3A_448, %dot_general3A_444, %select_n3A_438 : vector<1024x256xi1>, vector<1024x256xf32>
    %select_n3A_455 = arith.select %lt3A_448, %add3A_447, %select_n3A_439 : vector<1024x256xi1>, vector<1024x256xi32>
    %get3A_456 = arith.constant 7424 : index
    %get3A_457 = arith.constant 0 : index
    %get3A_458 = vector.load %arg5[%get3A_456, %get3A_457] : memref<8192x136xf32, #tpu.memory_space<vmem>>, vector<256x136xf32>
    %dot_general3A_459 = arith.constant dense<0.000000e+00> : vector<1024x256xf32>
    %dot_general3A_460 = tpu.matmul %concatenate3A_8, %get3A_458, %dot_general3A_459 {dimension_numbers = #tpu.dot_dimension_numbers<[1], [1], [0], [0], [0, 0, 1, 0], [], []>, transpose_lhs_hint = false} : vector<1024x136xf32>, vector<256x136xf32>, vector<1024x256xf32> -> vector<1024x256xf32>
    %add3A_461 = arith.constant 7424 : i32
    %add3A_462 = vector.broadcast %add3A_461 : i32 to vector<1024x256xi32>
    %add3A_463 = arith.addi %iota3A, %add3A_462 : vector<1024x256xi32>
    %lt3A_464 = arith.cmpf olt, %dot_general3A_460, %select_n3A_454 : vector<1024x256xf32>
    %lt3A_465 = arith.cmpf olt, %dot_general3A_460, %select_n3A_451 : vector<1024x256xf32>
    %select_n3A_466 = arith.select %lt3A_465, %dot_general3A_460, %select_n3A_451 : vector<1024x256xi1>, vector<1024x256xf32>
    %select_n3A_467 = arith.select %lt3A_464, %select_n3A_454, %select_n3A_466 : vector<1024x256xi1>, vector<1024x256xf32>
    %select_n3A_468 = arith.select %lt3A_465, %add3A_463, %select_n3A_453 : vector<1024x256xi1>, vector<1024x256xi32>
    %select_n3A_469 = arith.select %lt3A_464, %select_n3A_455, %select_n3A_468 : vector<1024x256xi1>, vector<1024x256xi32>
    %select_n3A_470 = arith.select %lt3A_464, %dot_general3A_460, %select_n3A_454 : vector<1024x256xi1>, vector<1024x256xf32>
    %select_n3A_471 = arith.select %lt3A_464, %add3A_463, %select_n3A_455 : vector<1024x256xi1>, vector<1024x256xi32>
    %get3A_472 = arith.constant 7680 : index
    %get3A_473 = arith.constant 0 : index
    %get3A_474 = vector.load %arg5[%get3A_472, %get3A_473] : memref<8192x136xf32, #tpu.memory_space<vmem>>, vector<256x136xf32>
    %dot_general3A_475 = arith.constant dense<0.000000e+00> : vector<1024x256xf32>
    %dot_general3A_476 = tpu.matmul %concatenate3A_8, %get3A_474, %dot_general3A_475 {dimension_numbers = #tpu.dot_dimension_numbers<[1], [1], [0], [0], [0, 0, 1, 0], [], []>, transpose_lhs_hint = false} : vector<1024x136xf32>, vector<256x136xf32>, vector<1024x256xf32> -> vector<1024x256xf32>
    %add3A_477 = arith.constant 7680 : i32
    %add3A_478 = vector.broadcast %add3A_477 : i32 to vector<1024x256xi32>
    %add3A_479 = arith.addi %iota3A, %add3A_478 : vector<1024x256xi32>
    %lt3A_480 = arith.cmpf olt, %dot_general3A_476, %select_n3A_470 : vector<1024x256xf32>
    %lt3A_481 = arith.cmpf olt, %dot_general3A_476, %select_n3A_467 : vector<1024x256xf32>
    %select_n3A_482 = arith.select %lt3A_481, %dot_general3A_476, %select_n3A_467 : vector<1024x256xi1>, vector<1024x256xf32>
    %select_n3A_483 = arith.select %lt3A_480, %select_n3A_470, %select_n3A_482 : vector<1024x256xi1>, vector<1024x256xf32>
    %select_n3A_484 = arith.select %lt3A_481, %add3A_479, %select_n3A_469 : vector<1024x256xi1>, vector<1024x256xi32>
    %select_n3A_485 = arith.select %lt3A_480, %select_n3A_471, %select_n3A_484 : vector<1024x256xi1>, vector<1024x256xi32>
    %select_n3A_486 = arith.select %lt3A_480, %dot_general3A_476, %select_n3A_470 : vector<1024x256xi1>, vector<1024x256xf32>
    %select_n3A_487 = arith.select %lt3A_480, %add3A_479, %select_n3A_471 : vector<1024x256xi1>, vector<1024x256xi32>
    %get3A_488 = arith.constant 7936 : index
    %get3A_489 = arith.constant 0 : index
    %get3A_490 = vector.load %arg5[%get3A_488, %get3A_489] : memref<8192x136xf32, #tpu.memory_space<vmem>>, vector<256x136xf32>
    %dot_general3A_491 = arith.constant dense<0.000000e+00> : vector<1024x256xf32>
    %dot_general3A_492 = tpu.matmul %concatenate3A_8, %get3A_490, %dot_general3A_491 {dimension_numbers = #tpu.dot_dimension_numbers<[1], [1], [0], [0], [0, 0, 1, 0], [], []>, transpose_lhs_hint = false} : vector<1024x136xf32>, vector<256x136xf32>, vector<1024x256xf32> -> vector<1024x256xf32>
    %add3A_493 = arith.constant 7936 : i32
    %add3A_494 = vector.broadcast %add3A_493 : i32 to vector<1024x256xi32>
    %add3A_495 = arith.addi %iota3A, %add3A_494 : vector<1024x256xi32>
    %lt3A_496 = arith.cmpf olt, %dot_general3A_492, %select_n3A_486 : vector<1024x256xf32>
    %lt3A_497 = arith.cmpf olt, %dot_general3A_492, %select_n3A_483 : vector<1024x256xf32>
    %select_n3A_498 = arith.select %lt3A_497, %dot_general3A_492, %select_n3A_483 : vector<1024x256xi1>, vector<1024x256xf32>
    %select_n3A_499 = arith.select %lt3A_496, %select_n3A_486, %select_n3A_498 : vector<1024x256xi1>, vector<1024x256xf32>
    %select_n3A_500 = arith.select %lt3A_497, %add3A_495, %select_n3A_485 : vector<1024x256xi1>, vector<1024x256xi32>
    %select_n3A_501 = arith.select %lt3A_496, %select_n3A_487, %select_n3A_500 : vector<1024x256xi1>, vector<1024x256xi32>
    %select_n3A_502 = arith.select %lt3A_496, %dot_general3A_492, %select_n3A_486 : vector<1024x256xi1>, vector<1024x256xf32>
    %select_n3A_503 = arith.select %lt3A_496, %add3A_495, %select_n3A_487 : vector<1024x256xi1>, vector<1024x256xi32>
    %iota3A_504 = tpu.iota {dimensions = array<i32: 0>} : vector<1024x1xi32>
    %mul3A_505 = arith.constant 1024 : i32
    %mul3A_506 = arith.muli %arg0, %mul3A_505 : i32
    %add3A_507 = vector.broadcast %mul3A_506 : i32 to vector<1024x1xi32>
    %add3A_508 = arith.addi %iota3A_504, %add3A_507 : vector<1024x1xi32>
    %jit3A = arith.constant 256 : i32
    %eq3A_509 = arith.constant 0 : i32
    %eq3A_510 = arith.cmpi eq, %jit3A, %eq3A_509 : i32
    %jit3A_511 = arith.constant 1 : i32
    %select_n3A_512 = arith.select %eq3A_510, %jit3A_511, %jit3A : i32
    %rem3A = vector.broadcast %select_n3A_512 : i32 to vector<1024x1xi32>
    %rem3A_513 = arith.remsi %add3A_508, %rem3A : vector<1024x1xi32>
    %ne3A = arith.constant 0 : i32
    %ne3A_514 = vector.broadcast %ne3A : i32 to vector<1024x1xi32>
    %ne3A_515 = arith.cmpi ne, %rem3A_513, %ne3A_514 : vector<1024x1xi32>
    %lt3A_516 = arith.constant 0 : i32
    %lt3A_517 = vector.broadcast %lt3A_516 : i32 to vector<1024x1xi32>
    %lt3A_518 = arith.cmpi slt, %rem3A_513, %lt3A_517 : vector<1024x1xi32>
    %lt3A_519 = arith.constant 0 : i32
    %lt3A_520 = arith.cmpi slt, %select_n3A_512, %lt3A_519 : i32
    %ne3A_521 = vector.broadcast %lt3A_520 : i1 to vector<1024x1xi1>
    %ne3A_522 = vector.broadcast %ne3A_521 : vector<1024x1xi1> to vector<1024x1xi1>
    %ne3A_523 = arith.xori %lt3A_518, %ne3A_522 : vector<1024x1xi1>
    %and3A = arith.andi %ne3A_523, %ne3A_515 : vector<1024x1xi1>
    %add3A_524 = vector.broadcast %select_n3A_512 : i32 to vector<1024x1xi32>
    %add3A_525 = arith.addi %rem3A_513, %add3A_524 : vector<1024x1xi32>
    %select_n3A_526 = arith.select %and3A, %add3A_525, %rem3A_513 : vector<1024x1xi1>, vector<1024x1xi32>
    %eq3A_527 = vector.broadcast %select_n3A_526 : vector<1024x1xi32> to vector<1024x256xi32>
    %eq3A_528 = arith.cmpi eq, %iota3A, %eq3A_527 : vector<1024x256xi32>
    %select_n3A_529 = arith.select %eq3A_528, %select_n3A_499, %select_n3A_502 : vector<1024x256xi1>, vector<1024x256xf32>
    %select_n3A_530 = arith.select %eq3A_528, %select_n3A_501, %select_n3A_503 : vector<1024x256xi1>, vector<1024x256xi32>
    %jit3A_531 = arith.constant 3.000000e+38 : f32
    %broadcast_in_dim3A_532 = vector.broadcast %jit3A_531 : f32 to vector<1024x256xf32>
    %select_n3A_533 = arith.select %eq3A_528, %broadcast_in_dim3A_532, %select_n3A_499 : vector<1024x256xi1>, vector<1024x256xf32>
    %concatenate3A_534 = tpu.concatenate %select_n3A_529, %select_n3A_533 in 1 : vector<1024x256xf32>, vector<1024x256xf32> -> vector<1024x512xf32>
    %concatenate3A_535 = tpu.concatenate %select_n3A_530, %select_n3A_501 in 1 : vector<1024x256xi32>, vector<1024x256xi32> -> vector<1024x512xi32>
    %reduce_min3A = arith.constant dense<0x7F800000> : vector<1024xf32>
    %reduce_min3A_536 = vector.multi_reduction <minimumf>, %concatenate3A_534, %reduce_min3A [1] : vector<1024x512xf32> to vector<1024xf32>
    %broadcast_in_dim3A_537 = vector.shape_cast %reduce_min3A_536 : vector<1024xf32> to vector<1024x1xf32>
    %eq3A_538 = vector.broadcast %broadcast_in_dim3A_537 : vector<1024x1xf32> to vector<1024x512xf32>
    %eq3A_539 = arith.cmpf oeq, %concatenate3A_534, %eq3A_538 : vector<1024x512xf32>
    %jit3A_540 = arith.constant -1 : i32
    %broadcast_in_dim3A_541 = vector.broadcast %jit3A_540 : i32 to vector<1024x512xi32>
    %select_n3A_542 = arith.select %eq3A_539, %concatenate3A_535, %broadcast_in_dim3A_541 : vector<1024x512xi1>, vector<1024x512xi32>
    %reduce_max3A = arith.constant dense<-2147483648> : vector<1024xi32>
    %reduce_max3A_543 = vector.multi_reduction <maxsi>, %select_n3A_542, %reduce_max3A [1] : vector<1024x512xi32> to vector<1024xi32>
    %jit3A_544 = arith.constant 3.000000e+38 : f32
    %broadcast_in_dim3A_545 = vector.broadcast %jit3A_544 : f32 to vector<1024x512xf32>
    %select_n3A_546 = arith.select %eq3A_539, %broadcast_in_dim3A_545, %concatenate3A_534 : vector<1024x512xi1>, vector<1024x512xf32>
    %reduce_min3A_547 = arith.constant dense<0x7F800000> : vector<1024xf32>
    %reduce_min3A_548 = vector.multi_reduction <minimumf>, %select_n3A_546, %reduce_min3A_547 [1] : vector<1024x512xf32> to vector<1024xf32>
    %broadcast_in_dim3A_549 = vector.shape_cast %reduce_min3A_548 : vector<1024xf32> to vector<1024x1xf32>
    %eq3A_550 = vector.broadcast %broadcast_in_dim3A_549 : vector<1024x1xf32> to vector<1024x512xf32>
    %eq3A_551 = arith.cmpf oeq, %select_n3A_546, %eq3A_550 : vector<1024x512xf32>
    %jit3A_552 = arith.constant -1 : i32
    %broadcast_in_dim3A_553 = vector.broadcast %jit3A_552 : i32 to vector<1024x512xi32>
    %select_n3A_554 = arith.select %eq3A_551, %concatenate3A_535, %broadcast_in_dim3A_553 : vector<1024x512xi1>, vector<1024x512xi32>
    %reduce_max3A_555 = arith.constant dense<-2147483648> : vector<1024xi32>
    %reduce_max3A_556 = vector.multi_reduction <maxsi>, %select_n3A_554, %reduce_max3A_555 [1] : vector<1024x512xi32> to vector<1024xi32>
    %jit3A_557 = arith.constant 3.000000e+38 : f32
    %broadcast_in_dim3A_558 = vector.broadcast %jit3A_557 : f32 to vector<1024x512xf32>
    %select_n3A_559 = arith.select %eq3A_551, %broadcast_in_dim3A_558, %select_n3A_546 : vector<1024x512xi1>, vector<1024x512xf32>
    %reduce_min3A_560 = arith.constant dense<0x7F800000> : vector<1024xf32>
    %reduce_min3A_561 = vector.multi_reduction <minimumf>, %select_n3A_559, %reduce_min3A_560 [1] : vector<1024x512xf32> to vector<1024xf32>
    %broadcast_in_dim3A_562 = vector.shape_cast %reduce_min3A_561 : vector<1024xf32> to vector<1024x1xf32>
    %eq3A_563 = vector.broadcast %broadcast_in_dim3A_562 : vector<1024x1xf32> to vector<1024x512xf32>
    %eq3A_564 = arith.cmpf oeq, %select_n3A_559, %eq3A_563 : vector<1024x512xf32>
    %jit3A_565 = arith.constant -1 : i32
    %broadcast_in_dim3A_566 = vector.broadcast %jit3A_565 : i32 to vector<1024x512xi32>
    %select_n3A_567 = arith.select %eq3A_564, %concatenate3A_535, %broadcast_in_dim3A_566 : vector<1024x512xi1>, vector<1024x512xi32>
    %reduce_max3A_568 = arith.constant dense<-2147483648> : vector<1024xi32>
    %reduce_max3A_569 = vector.multi_reduction <maxsi>, %select_n3A_567, %reduce_max3A_568 [1] : vector<1024x512xi32> to vector<1024xi32>
    %jit3A_570 = arith.constant 3.000000e+38 : f32
    %broadcast_in_dim3A_571 = vector.broadcast %jit3A_570 : f32 to vector<1024x512xf32>
    %select_n3A_572 = arith.select %eq3A_564, %broadcast_in_dim3A_571, %select_n3A_559 : vector<1024x512xi1>, vector<1024x512xf32>
    %reduce_min3A_573 = arith.constant dense<0x7F800000> : vector<1024xf32>
    %reduce_min3A_574 = vector.multi_reduction <minimumf>, %select_n3A_572, %reduce_min3A_573 [1] : vector<1024x512xf32> to vector<1024xf32>
    %broadcast_in_dim3A_575 = vector.shape_cast %reduce_min3A_574 : vector<1024xf32> to vector<1024x1xf32>
    %eq3A_576 = vector.broadcast %broadcast_in_dim3A_575 : vector<1024x1xf32> to vector<1024x512xf32>
    %eq3A_577 = arith.cmpf oeq, %select_n3A_572, %eq3A_576 : vector<1024x512xf32>
    %jit3A_578 = arith.constant -1 : i32
    %broadcast_in_dim3A_579 = vector.broadcast %jit3A_578 : i32 to vector<1024x512xi32>
    %select_n3A_580 = arith.select %eq3A_577, %concatenate3A_535, %broadcast_in_dim3A_579 : vector<1024x512xi1>, vector<1024x512xi32>
    %reduce_max3A_581 = arith.constant dense<-2147483648> : vector<1024xi32>
    %reduce_max3A_582 = vector.multi_reduction <maxsi>, %select_n3A_580, %reduce_max3A_581 [1] : vector<1024x512xi32> to vector<1024xi32>
    %jit3A_583 = arith.constant 3.000000e+38 : f32
    %broadcast_in_dim3A_584 = vector.broadcast %jit3A_583 : f32 to vector<1024x512xf32>
    %select_n3A_585 = arith.select %eq3A_577, %broadcast_in_dim3A_584, %select_n3A_572 : vector<1024x512xi1>, vector<1024x512xf32>
    %reduce_min3A_586 = arith.constant dense<0x7F800000> : vector<1024xf32>
    %reduce_min3A_587 = vector.multi_reduction <minimumf>, %select_n3A_585, %reduce_min3A_586 [1] : vector<1024x512xf32> to vector<1024xf32>
    %broadcast_in_dim3A_588 = vector.shape_cast %reduce_min3A_587 : vector<1024xf32> to vector<1024x1xf32>
    %eq3A_589 = vector.broadcast %broadcast_in_dim3A_588 : vector<1024x1xf32> to vector<1024x512xf32>
    %eq3A_590 = arith.cmpf oeq, %select_n3A_585, %eq3A_589 : vector<1024x512xf32>
    %jit3A_591 = arith.constant -1 : i32
    %broadcast_in_dim3A_592 = vector.broadcast %jit3A_591 : i32 to vector<1024x512xi32>
    %select_n3A_593 = arith.select %eq3A_590, %concatenate3A_535, %broadcast_in_dim3A_592 : vector<1024x512xi1>, vector<1024x512xi32>
    %reduce_max3A_594 = arith.constant dense<-2147483648> : vector<1024xi32>
    %reduce_max3A_595 = vector.multi_reduction <maxsi>, %select_n3A_593, %reduce_max3A_594 [1] : vector<1024x512xi32> to vector<1024xi32>
    %jit3A_596 = arith.constant 3.000000e+38 : f32
    %broadcast_in_dim3A_597 = vector.broadcast %jit3A_596 : f32 to vector<1024x512xf32>
    %select_n3A_598 = arith.select %eq3A_590, %broadcast_in_dim3A_597, %select_n3A_585 : vector<1024x512xi1>, vector<1024x512xf32>
    %reduce_min3A_599 = arith.constant dense<0x7F800000> : vector<1024xf32>
    %reduce_min3A_600 = vector.multi_reduction <minimumf>, %select_n3A_598, %reduce_min3A_599 [1] : vector<1024x512xf32> to vector<1024xf32>
    %broadcast_in_dim3A_601 = vector.shape_cast %reduce_min3A_600 : vector<1024xf32> to vector<1024x1xf32>
    %eq3A_602 = vector.broadcast %broadcast_in_dim3A_601 : vector<1024x1xf32> to vector<1024x512xf32>
    %eq3A_603 = arith.cmpf oeq, %select_n3A_598, %eq3A_602 : vector<1024x512xf32>
    %jit3A_604 = arith.constant -1 : i32
    %broadcast_in_dim3A_605 = vector.broadcast %jit3A_604 : i32 to vector<1024x512xi32>
    %select_n3A_606 = arith.select %eq3A_603, %concatenate3A_535, %broadcast_in_dim3A_605 : vector<1024x512xi1>, vector<1024x512xi32>
    %reduce_max3A_607 = arith.constant dense<-2147483648> : vector<1024xi32>
    %reduce_max3A_608 = vector.multi_reduction <maxsi>, %select_n3A_606, %reduce_max3A_607 [1] : vector<1024x512xi32> to vector<1024xi32>
    %jit3A_609 = arith.constant 3.000000e+38 : f32
    %broadcast_in_dim3A_610 = vector.broadcast %jit3A_609 : f32 to vector<1024x512xf32>
    %select_n3A_611 = arith.select %eq3A_603, %broadcast_in_dim3A_610, %select_n3A_598 : vector<1024x512xi1>, vector<1024x512xf32>
    %reduce_min3A_612 = arith.constant dense<0x7F800000> : vector<1024xf32>
    %reduce_min3A_613 = vector.multi_reduction <minimumf>, %select_n3A_611, %reduce_min3A_612 [1] : vector<1024x512xf32> to vector<1024xf32>
    %broadcast_in_dim3A_614 = vector.shape_cast %reduce_min3A_613 : vector<1024xf32> to vector<1024x1xf32>
    %eq3A_615 = vector.broadcast %broadcast_in_dim3A_614 : vector<1024x1xf32> to vector<1024x512xf32>
    %eq3A_616 = arith.cmpf oeq, %select_n3A_611, %eq3A_615 : vector<1024x512xf32>
    %jit3A_617 = arith.constant -1 : i32
    %broadcast_in_dim3A_618 = vector.broadcast %jit3A_617 : i32 to vector<1024x512xi32>
    %select_n3A_619 = arith.select %eq3A_616, %concatenate3A_535, %broadcast_in_dim3A_618 : vector<1024x512xi1>, vector<1024x512xi32>
    %reduce_max3A_620 = arith.constant dense<-2147483648> : vector<1024xi32>
    %reduce_max3A_621 = vector.multi_reduction <maxsi>, %select_n3A_619, %reduce_max3A_620 [1] : vector<1024x512xi32> to vector<1024xi32>
    %jit3A_622 = arith.constant 3.000000e+38 : f32
    %broadcast_in_dim3A_623 = vector.broadcast %jit3A_622 : f32 to vector<1024x512xf32>
    %select_n3A_624 = arith.select %eq3A_616, %broadcast_in_dim3A_623, %select_n3A_611 : vector<1024x512xi1>, vector<1024x512xf32>
    %reduce_min3A_625 = arith.constant dense<0x7F800000> : vector<1024xf32>
    %reduce_min3A_626 = vector.multi_reduction <minimumf>, %select_n3A_624, %reduce_min3A_625 [1] : vector<1024x512xf32> to vector<1024xf32>
    %broadcast_in_dim3A_627 = vector.shape_cast %reduce_min3A_626 : vector<1024xf32> to vector<1024x1xf32>
    %eq3A_628 = vector.broadcast %broadcast_in_dim3A_627 : vector<1024x1xf32> to vector<1024x512xf32>
    %eq3A_629 = arith.cmpf oeq, %select_n3A_624, %eq3A_628 : vector<1024x512xf32>
    %jit3A_630 = arith.constant -1 : i32
    %broadcast_in_dim3A_631 = vector.broadcast %jit3A_630 : i32 to vector<1024x512xi32>
    %select_n3A_632 = arith.select %eq3A_629, %concatenate3A_535, %broadcast_in_dim3A_631 : vector<1024x512xi1>, vector<1024x512xi32>
    %reduce_max3A_633 = arith.constant dense<-2147483648> : vector<1024xi32>
    %reduce_max3A_634 = vector.multi_reduction <maxsi>, %select_n3A_632, %reduce_max3A_633 [1] : vector<1024x512xi32> to vector<1024xi32>
    %jit3A_635 = arith.constant 3.000000e+38 : f32
    %broadcast_in_dim3A_636 = vector.broadcast %jit3A_635 : f32 to vector<1024x512xf32>
    %select_n3A_637 = arith.select %eq3A_629, %broadcast_in_dim3A_636, %select_n3A_624 : vector<1024x512xi1>, vector<1024x512xf32>
    %reduce_min3A_638 = arith.constant dense<0x7F800000> : vector<1024xf32>
    %reduce_min3A_639 = vector.multi_reduction <minimumf>, %select_n3A_637, %reduce_min3A_638 [1] : vector<1024x512xf32> to vector<1024xf32>
    %broadcast_in_dim3A_640 = vector.shape_cast %reduce_min3A_639 : vector<1024xf32> to vector<1024x1xf32>
    %eq3A_641 = vector.broadcast %broadcast_in_dim3A_640 : vector<1024x1xf32> to vector<1024x512xf32>
    %eq3A_642 = arith.cmpf oeq, %select_n3A_637, %eq3A_641 : vector<1024x512xf32>
    %jit3A_643 = arith.constant -1 : i32
    %broadcast_in_dim3A_644 = vector.broadcast %jit3A_643 : i32 to vector<1024x512xi32>
    %select_n3A_645 = arith.select %eq3A_642, %concatenate3A_535, %broadcast_in_dim3A_644 : vector<1024x512xi1>, vector<1024x512xi32>
    %reduce_max3A_646 = arith.constant dense<-2147483648> : vector<1024xi32>
    %reduce_max3A_647 = vector.multi_reduction <maxsi>, %select_n3A_645, %reduce_max3A_646 [1] : vector<1024x512xi32> to vector<1024xi32>
    %jit3A_648 = arith.constant 3.000000e+38 : f32
    %broadcast_in_dim3A_649 = vector.broadcast %jit3A_648 : f32 to vector<1024x512xf32>
    %select_n3A_650 = arith.select %eq3A_642, %broadcast_in_dim3A_649, %select_n3A_637 : vector<1024x512xi1>, vector<1024x512xf32>
    %reduce_min3A_651 = arith.constant dense<0x7F800000> : vector<1024xf32>
    %reduce_min3A_652 = vector.multi_reduction <minimumf>, %select_n3A_650, %reduce_min3A_651 [1] : vector<1024x512xf32> to vector<1024xf32>
    %broadcast_in_dim3A_653 = vector.shape_cast %reduce_min3A_652 : vector<1024xf32> to vector<1024x1xf32>
    %eq3A_654 = vector.broadcast %broadcast_in_dim3A_653 : vector<1024x1xf32> to vector<1024x512xf32>
    %eq3A_655 = arith.cmpf oeq, %select_n3A_650, %eq3A_654 : vector<1024x512xf32>
    %jit3A_656 = arith.constant -1 : i32
    %broadcast_in_dim3A_657 = vector.broadcast %jit3A_656 : i32 to vector<1024x512xi32>
    %select_n3A_658 = arith.select %eq3A_655, %concatenate3A_535, %broadcast_in_dim3A_657 : vector<1024x512xi1>, vector<1024x512xi32>
    %reduce_max3A_659 = arith.constant dense<-2147483648> : vector<1024xi32>
    %reduce_max3A_660 = vector.multi_reduction <maxsi>, %select_n3A_658, %reduce_max3A_659 [1] : vector<1024x512xi32> to vector<1024xi32>
    %stack3A = vector.shape_cast %reduce_min3A_536 : vector<1024xf32> to vector<1x1024xf32>
    %stack3A_661 = vector.shape_cast %reduce_min3A_548 : vector<1024xf32> to vector<1x1024xf32>
    %stack3A_662 = vector.shape_cast %reduce_min3A_561 : vector<1024xf32> to vector<1x1024xf32>
    %stack3A_663 = vector.shape_cast %reduce_min3A_574 : vector<1024xf32> to vector<1x1024xf32>
    %stack3A_664 = vector.shape_cast %reduce_min3A_587 : vector<1024xf32> to vector<1x1024xf32>
    %stack3A_665 = vector.shape_cast %reduce_min3A_600 : vector<1024xf32> to vector<1x1024xf32>
    %stack3A_666 = vector.shape_cast %reduce_min3A_613 : vector<1024xf32> to vector<1x1024xf32>
    %stack3A_667 = vector.shape_cast %reduce_min3A_626 : vector<1024xf32> to vector<1x1024xf32>
    %stack3A_668 = vector.shape_cast %reduce_min3A_639 : vector<1024xf32> to vector<1x1024xf32>
    %stack3A_669 = vector.shape_cast %reduce_min3A_652 : vector<1024xf32> to vector<1x1024xf32>
    %stack3A_670 = tpu.concatenate %stack3A, %stack3A_661, %stack3A_662, %stack3A_663, %stack3A_664, %stack3A_665, %stack3A_666, %stack3A_667, %stack3A_668, %stack3A_669 in 0 : vector<1x1024xf32>, vector<1x1024xf32>, vector<1x1024xf32>, vector<1x1024xf32>, vector<1x1024xf32>, vector<1x1024xf32>, vector<1x1024xf32>, vector<1x1024xf32>, vector<1x1024xf32>, vector<1x1024xf32> -> vector<10x1024xf32>
    %broadcast_in_dim3A_671 = vector.shape_cast %reduce_sum3A_4 : vector<1024xf32> to vector<1x1024xf32>
    %add3A_672 = vector.broadcast %broadcast_in_dim3A_671 : vector<1x1024xf32> to vector<10x1024xf32>
    %add3A_673 = arith.addf %stack3A_670, %add3A_672 : vector<10x1024xf32>
    %max3A_674 = arith.constant 0.000000e+00 : f32
    %max3A_675 = vector.broadcast %max3A_674 : f32 to vector<10x1024xf32>
    %max3A_676 = arith.maximumf %add3A_673, %max3A_675 : vector<10x1024xf32>
    %sqrt3A = math.sqrt %max3A_676 : vector<10x1024xf32>
    %slice3A = vector.extract_strided_slice %sqrt3A {offsets = [9, 0], sizes = [1, 1024], strides = [1, 1]} : vector<10x1024xf32> to vector<1x1024xf32>
    %squeeze3A = vector.shape_cast %slice3A : vector<1x1024xf32> to vector<1024xf32>
    %max3A_677 = arith.constant 9.99999993E-9 : f32
    %max3A_678 = vector.broadcast %max3A_677 : f32 to vector<1024xf32>
    %max3A_679 = arith.maximumf %squeeze3A, %max3A_678 : vector<1024xf32>
    %broadcast_in_dim3A_680 = vector.shape_cast %max3A_679 : vector<1024xf32> to vector<1x1024xf32>
    %div3A = vector.broadcast %broadcast_in_dim3A_680 : vector<1x1024xf32> to vector<10x1024xf32>
    %div3A_681 = arith.divf %sqrt3A, %div3A : vector<10x1024xf32>
    %broadcast_in_dim3A_682 = arith.constant 0.000000e+00 : f32
    %broadcast_in_dim3A_683 = vector.broadcast %broadcast_in_dim3A_682 : f32 to vector<6x1024xf32>
    %concatenate3A_684 = tpu.concatenate %div3A_681, %broadcast_in_dim3A_683 in 0 : vector<10x1024xf32>, vector<6x1024xf32> -> vector<16x1024xf32>
    %stack3A_685 = vector.shape_cast %reduce_max3A_543 : vector<1024xi32> to vector<1x1024xi32>
    %stack3A_686 = vector.shape_cast %reduce_max3A_556 : vector<1024xi32> to vector<1x1024xi32>
    %stack3A_687 = vector.shape_cast %reduce_max3A_569 : vector<1024xi32> to vector<1x1024xi32>
    %stack3A_688 = vector.shape_cast %reduce_max3A_582 : vector<1024xi32> to vector<1x1024xi32>
    %stack3A_689 = vector.shape_cast %reduce_max3A_595 : vector<1024xi32> to vector<1x1024xi32>
    %stack3A_690 = vector.shape_cast %reduce_max3A_608 : vector<1024xi32> to vector<1x1024xi32>
    %stack3A_691 = vector.shape_cast %reduce_max3A_621 : vector<1024xi32> to vector<1x1024xi32>
    %stack3A_692 = vector.shape_cast %reduce_max3A_634 : vector<1024xi32> to vector<1x1024xi32>
    %stack3A_693 = vector.shape_cast %reduce_max3A_647 : vector<1024xi32> to vector<1x1024xi32>
    %stack3A_694 = vector.shape_cast %reduce_max3A_660 : vector<1024xi32> to vector<1x1024xi32>
    %stack3A_695 = tpu.concatenate %stack3A_685, %stack3A_686, %stack3A_687, %stack3A_688, %stack3A_689, %stack3A_690, %stack3A_691, %stack3A_692, %stack3A_693, %stack3A_694 in 0 : vector<1x1024xi32>, vector<1x1024xi32>, vector<1x1024xi32>, vector<1x1024xi32>, vector<1x1024xi32>, vector<1x1024xi32>, vector<1x1024xi32>, vector<1x1024xi32>, vector<1x1024xi32>, vector<1x1024xi32> -> vector<10x1024xi32>
    %broadcast_in_dim3A_696 = arith.constant 0 : i32
    %broadcast_in_dim3A_697 = vector.broadcast %broadcast_in_dim3A_696 : i32 to vector<6x1024xi32>
    %concatenate3A_698 = tpu.concatenate %stack3A_695, %broadcast_in_dim3A_697 in 0 : vector<10x1024xi32>, vector<6x1024xi32> -> vector<16x1024xi32>
    %transpose3A = tpu.transpose %concatenate3A_698, [1, 0] : vector<16x1024xi32> -> vector<1024x16xi32>
    %swap3A = arith.constant 0 : index
    %swap3A_699 = arith.constant 0 : index
    %swap3A_700 = vector.load %arg3[%swap3A, %swap3A_699] : memref<1024x16xi32, #tpu.memory_space<vmem>>, vector<1024x16xi32>
    tpu.vector_store %arg3[%swap3A, %swap3A_699], %transpose3A {strides = array<i32>} : memref<1024x16xi32, #tpu.memory_space<vmem>>, vector<1024x16xi32>,
    %transpose3A_701 = tpu.transpose %concatenate3A_684, [1, 0] : vector<16x1024xf32> -> vector<1024x16xf32>
    %swap3A_702 = arith.constant 0 : index
    %swap3A_703 = arith.constant 0 : index
    %swap3A_704 = vector.load %arg4[%swap3A_702, %swap3A_703] : memref<1024x16xf32, #tpu.memory_space<vmem>>, vector<1024x16xf32>
    tpu.vector_store %arg4[%swap3A_702, %swap3A_703], %transpose3A_701 {strides = array<i32>} : memref<1024x16xf32, #tpu.memory_space<vmem>>, vector<1024x16xf32>,
    return
  }
  func.func @transform_0(%arg0: i32) -> (i32, i32) {
    %c0_i32 = arith.constant 0 : i32
    %c0_i32_0 = arith.constant 0 : i32
    %c0_i32_1 = arith.constant 0 : i32
    return %c0_i32, %c0_i32_0 : i32, i32
  }
  func.func @transform_1(%arg0: i32) -> (i32, i32) {
    %c0_i32 = arith.constant 0 : i32
    %c0_i32_0 = arith.constant 0 : i32
    return %arg0, %c0_i32 : i32, i32
  }
  func.func @transform_2(%arg0: i32) -> (i32, i32) {
    %c0_i32 = arith.constant 0 : i32
    %c0_i32_0 = arith.constant 0 : i32
    return %arg0, %c0_i32 : i32, i32
  }
  func.func @transform_3(%arg0: i32) -> (i32, i32) {
    %c0_i32 = arith.constant 0 : i32
    %c0_i32_0 = arith.constant 0 : i32
    return %arg0, %c0_i32 : i32, i32
  }
}

</mosaic_0001>

<sc_bundles>
// kernel: kernel.5.cloned.1.call-start
scs
__scs_entry_jumppad:
0x0: {  	(pc) =	sbr.rel $0x88, $3  }
0x1: {  	(tag) =	ssettag $0x0;
	lr =	simm.s32 $0x1  }
0x2: {  	[smem:$0x3F9F] =	sst lr;
	_ =	strace $0xD0000000  }
0x3: {  	_ = 	snop  }
0x4: {  	_ = 	snop  }
0x5: {  	_ = 	snop  }
0x6: {  	_ = 	snop  }
0x7: {  	_ = 	snop  }
__scs_overlays_trampoline_lowered:
0x8: {  	[smem:$0x3FAE] =	sst s0  }
0x9: {  	[smem:$0x3FAF] =	sst s1  }
0xa: {  	[smem:$0x3FB0] =	sst s2  }
0xb: {  	[smem:$0x3FB1] =	sst s3  }
0xc: {  	[smem:$0x3FB2] =	sst s4  }
0xd: {  	[smem:$0x3FB3] =	sst s5  }
0xe: {  	[smem:$0x3FB4] =	sst s6  }
0xf: {  	[smem:$0x3FB5] =	sst s7  }
0x10: {  	[smem:$0x3FB6] =	sst s8  }
0x11: {  	[smem:$0x3FB7] =	sst s9;
	s0 =	simm.s32 @!p0 $0x0  }
0x12: {  	s1 =	sld [smem:$0x3F9D];
	s0 =	simm.s32 @p0 $0x1  }
0x13: {  	[smem:$0x3FB8] =	sst s0;
	s0 =	simm.s32 @!p1 $0x0  }
0x14: {  	s2 =	sld [smem:$0x3F9C];
	s0 =	simm.s32 @p1 $0x1  }
0x15: {  	[smem:$0x3FB9] =	sst s0;
	s0 =	simm.s32 @!p2 $0x0  }
0x16: {  	s3 =	sld [smem:$0x3FDB];
	s0 =	simm.s32 @p2 $0x1  }
0x17: {  	s4 =	simm.s32 $0x1BF5;
	[smem:$0x3FBB] =	sst s0  }
0x18: {  	s0 =	sld [smem:$0x3F9E];
	_ =	swait.ge [sflag:s4], $0x0  }
0x19: {  	s7 =	sld [smem:$0x3F9F]  }
0x1a: {  	s8 =	sadd.s32 $0xFFFFE003, lr  }
0x1b: {  	s9 =	sadd.s32 $0xFFFFFEF7, lr;
	s5 =	simm.s32 $0xFFFFFFFF;
	p2 =	slt.u32 s8, $0xFFFFF086  }
0x1c: {  	p1 =	slt.u32 s9, $0xF7A;
	s5 =	simm.s32 @!p2 $0x0  }
0x1d: {  	s5 =	simm.s32 @p1 $0x1;
	p0 =	seq.s32 s7, s2  }
0x1e: {  	s7 =	smul.u32 @!p0 $0xF7A, s2;
	p2 =	seq.s32 @!p0 s5, $0x0  }
0x1f: {  	s9 =	smul.u32 $0xF7A, s1;
	s8 =	simm.s32 @!p0 $0x1BF5;
	p2 =	por !p2, p0  }
0x20: {  	[sflag:s8] =	ssyncset.s32 @!p0 $0xFFFFF086;
	s6 =	sadd.s32 @!p0 s3, s7;
	s7 =	simm.s32 @!p0 $0x108  }
0x21: {  	s3 =	sadd.s32 s3, s9;
	s6 =	sadd.s32 @!p0 $0x88, s6;
	s7 =	simm.s32 @p2 $0x1082  }
0x22: {  	[simem:s7], [sflag:s8] =	dma.local @!p0 [hbm:s6], $0xF7A  }
0x23: {  	s9 =	sor.u32 $0xD0000000, s2;
	s6 =	simm.s32 $0x108;
	_ =	swait.ge @!p0 [sflag:s8], $0x0  }
0x24: {  	s3 =	sadd.s32 $0x88, s3;
	s6 =	simm.s32 @!p1 $0x1082;
	[sflag:s4] =	ssyncset.s32 $0xFFFFF086  }
0x25: {  	[simem:s6], [sflag:s4] =	dma.local [hbm:s3], $0xF7A  }
0x26: {  	[smem:$0x3F9F] =	sst s1;
	(tag) =	ssettag s2;
	_ =	strace s9  }
0x27: {  	s1 =	sld [smem:$0x3FAF]  }
0x28: {  	s2 =	sld [smem:$0x3FB0]  }
0x29: {  	s4 =	sld [smem:$0x3FB2]  }
0x2a: {  	p0 =	seq.s32 s5, $0x0;
	s5 =	sld [smem:$0x3FB3]  }
0x2b: {  	s6 =	sld [smem:$0x3FB4]  }
0x2c: {  	s7 =	sld [smem:$0x3FB5]  }
0x2d: {  	s3 =	simm.s32 $0x108;
	s8 =	sld [smem:$0x3FB6]  }
0x2e: {  	s3 =	simm.s32 @!p0 $0x1082;
	s9 =	sld [smem:$0x3FB7]  }
0x2f: {  	lr =	sadd.s32 s0, s3;
	s0 =	sld [smem:$0x3FAE]  }
0x30: {  	s3 =	sld [smem:$0x3FB1]  }
0x31: {  	[smem:$0x3FBA] =	sst s10  }
0x32: {  	s10 =	sld [smem:$0x3FB8];
	_ =	sdelay $0x3  }
0x33: {  	p0 =	seq.s32 s10, $0x1;
	s10 =	sld [smem:$0x3FBA];
	_ =	sdelay $0x3  }
0x34: {  	[smem:$0x3FBA] =	sst s10  }
0x35: {  	s10 =	sld [smem:$0x3FB9];
	_ =	sdelay $0x3  }
0x36: {  	p1 =	seq.s32 s10, $0x1;
	s10 =	sld [smem:$0x3FBA];
	_ =	sdelay $0x3  }
0x37: {  	[smem:$0x3FBA] =	sst s10  }
0x38: {  	s10 =	sld [smem:$0x3FBB]  }
0x39: {  	_ = 	snop;
	(pc) =	sbr.ind lr, $3  }
0x3a: {  	_ = 	snop  }
0x3b: {  	_ = 	snop  }
0x3c: {  	p2 =	seq.s32 s10, $0x1;
	s10 =	sld [smem:$0x3FBA]  }
0x3d: {  	_ =	shalt  }
0x3e: {  	_ =	shalt  }
0x3f: {  	_ =	shalt  }
0x40: {  	_ =	shalt  }
0x41: {  	_ =	shalt  }
0x42: {  	_ =	shalt  }
0x43: {  	_ =	shalt  }
0x44: {  	_ =	shalt  }
0x45: {  	_ =	shalt  }
0x46: {  	_ =	shalt  }
0x47: {  	_ =	shalt  }
0x48: {  	_ =	shalt  }
0x49: {  	_ =	shalt  }
0x4a: {  	_ =	shalt  }
0x4b: {  	_ =	shalt  }
0x4c: {  	_ =	shalt  }
0x4d: {  	_ =	shalt  }
0x4e: {  	_ =	shalt  }
0x4f: {  	_ =	shalt  }
0x50: {  	_ =	shalt  }
0x51: {  	_ =	shalt  }
0x52: {  	_ =	shalt  }
0x53: {  	_ =	shalt  }
0x54: {  	_ =	shalt  }
0x55: {  	_ =	shalt  }
0x56: {  	_ =	shalt  }
0x57: {  	_ =	shalt  }
0x58: {  	_ =	shalt  }
0x59: {  	_ =	shalt  }
0x5a: {  	_ =	shalt  }
0x5b: {  	_ =	shalt  }
0x5c: {  	_ =	shalt  }
0x5d: {  	_ =	shalt  }
0x5e: {  	_ =	shalt  }
0x5f: {  	_ =	shalt  }
0x60: {  	_ =	shalt  }
0x61: {  	_ =	shalt  }
0x62: {  	_ =	shalt  }
0x63: {  	_ =	shalt  }
0x64: {  	_ =	shalt  }
0x65: {  	_ =	shalt  }
0x66: {  	_ =	shalt  }
0x67: {  	_ =	shalt  }
0x68: {  	_ =	shalt  }
0x69: {  	_ =	shalt  }
0x6a: {  	_ =	shalt  }
0x6b: {  	_ =	shalt  }
0x6c: {  	_ =	shalt  }
0x6d: {  	_ =	shalt  }
0x6e: {  	_ =	shalt  }
0x6f: {  	_ =	shalt  }
0x70: {  	_ =	shalt  }
0x71: {  	_ =	shalt  }
0x72: {  	_ =	shalt  }
0x73: {  	_ =	shalt  }
0x74: {  	_ =	shalt  }
0x75: {  	_ =	shalt  }
0x76: {  	_ =	shalt  }
0x77: {  	_ =	shalt  }
0x78: {  	_ =	shalt  }
0x79: {  	_ =	shalt  }
0x7a: {  	_ =	shalt  }
0x7b: {  	_ =	shalt  }
0x7c: {  	_ =	shalt  }
0x7d: {  	_ =	shalt  }
0x7e: {  	_ =	shalt  }
0x7f: {  	_ =	shalt  }
0x80: {  	_ =	shalt  }
0x81: {  	_ =	shalt  }
0x82: {  	_ =	shalt  }
0x83: {  	_ =	shalt  }
0x84: {  	_ =	shalt  }
0x85: {  	_ =	shalt  }
0x86: {  	_ =	shalt  }
0x87: {  	_ =	shalt  }
.Lfunc_end0:
.L_simem_size_0:
called_computation_lowered:
.L_overlay_start_0:
0x88: {  	s2 =	sld [smem:$0x3FD9]  }
0x89: {  	s3 =	sld [smem:$0x3FFE];
	_ =	sdelay $0x1  }
0x8a: {  	s1 =	srdreg.scid  }
0x8b: {  	s0 =	sand.u32 $0x1, s1  }
0x8c: {  	s16 =	sshll.u32 s0, $0xA;
	s2 =	sadd.s32 s3, s2  }
0x8d: {  	s2 =	sadd.s32 s2, s16  }
0x8e: {  	[smem:$0x3FC6] =	sst s2  }
0x8f: {  	_ = 	snop  }
0x90: {  	(tm) =	ssettm $0x1  }
0x91: {  	s17 =	sld [smem:$0x3FFB];
	_ =	sdelay $0x3  }
0x92: {  	_ =	strace s17  }
0x93: {  	s2 =	sld [smem:$0x3FFC];
	_ =	sdelay $0x3  }
0x94: {  	_ =	strace s2  }
0x95: {  	s2 =	sld [smem:$0x3FFD];
	_ =	sdelay $0x3  }
0x96: {  	_ =	strace s2  }
0x97: {  	_ =	strace $0x8FFFFFFF  }
0x98: {  	s18 =	sld [smem:$0x3FDB];
	_ =	sdelay $0x1  }
0x99: {  	s19 =	simm.s32 $_scs_section_size  }
0x9a: {  	s4 =	simm.s32 $_size__tile_overlayer_lowered;
	s5 =	simm.s32 $_tile_overlayer_lowered  }
0x9b: {  	s22 =	simm.s32 $0x1BFF;
	s21 =	sshll.u32 s5, $0x1;
	s2 =	sadd.s32 s19, s18  }
0x9c: {  	s6 =	simm.s32 $0x0;
	s20 =	sshll.u32 s4, $0x1;
	s4 =	sadd.s32 s21, s2  }
0x9d: {  	[timem:s6], [sflag:s22] =	dma.local [hbm:s4], s20  }
0x9e: {  	_ =	swait.ge [sflag:s22], s20  }
0x9f: {  	s3 =	ssub.s32 $0x0, s20;
	[sflag:s22] =	ssyncset.done $0x0  }
0xa0: {  	[sflag:s22] =	ssyncadd.s32 s3;
	_ =	sdelay $0x1  }
0xa1: {  	s23 =	simm.s32 $0x1B8B  }
0xa2: {  	_ =	swait.ge [sflag:s23], $0x1  }
0xa3: {  	[sflag:s23] =	ssyncset.done $0x0  }
0xa4: {  	s25 =	simm.s32 $0x1B8E;
	s24 =	sld [smem:$0x3FFE];
	[sflag:s23] =	ssyncadd.s32 $0xFFFFFFFF  }
0xa5: {  	s26 =	simm.s32 $execute0_lowered;
	[smem:$0x3FD2] =	sst s25  }
0xa6: {  	s4 =	sshll.u32 s26, $0x1;
	_ =	strace $0x80000046;
	[dreg:$0x1] =	wrdreg $0xFFFFFFFF  }
0xa7: {  	s28 =	simm.s32 $_size_execute0_lowered;
	s2 =	sadd.s32 s2, s4;
	[dreg:$0x0] =	wrdreg $0x0  }
0xa8: {  	s4 =	sshll.u32 s28, $0x1;
	[dreg:$0x2] =	wrdreg s2  }
0xa9: {  	[dreg:$0x3] =	wrdreg s4  }
0xaa: {  	[dreg:$0x4] =	wrdreg $0xC0  }
0xab: {  	_ =	task [dreg:s6], $0x5FFFF  }
0xac: {  	[dreg:$0x1] =	wrdreg $0xFFFFFFFF  }
0xad: {  	[dreg:$0x0] =	wrdreg $0x60  }
0xae: {  	[dreg:$0x2] =	wrdreg s24  }
0xaf: {  	[dreg:$0x3] =	wrdreg $0x9  }
0xb0: {  	_ =	task.clear_ibuf [dreg:s6], $0x4FFFF;
	_ =	strace $0x90000046  }
0xb1: {  	s29 =	simm.s32 $0x9;
	_ =	strace $0x80000048  }
0xb2: {  	_ =	swait.ge [sflag:s29], $0x1  }
0xb3: {  	[sflag:s29] =	ssyncadd.s32 $0xFFFFFFFF  }
0xb4: {  	_ =	strace $0x90000048  }
0xb5: {  	_ =	sfence  }
0xb6: {  	s30 =	sld [smem:$0x0];
	_ =	sdelay $0x2  }
0xb7: {  	s31 =	sshll.u32 s1, $0xD;
	s1 =	sshrl.u32 s1, $0x2  }
0xb8: {  	s3 =	sand.u32 $0x4000, s31;
	s1 =	sadd.s32 s1, s30  }
0xb9: {  	s0 =	sor.u32 s3, s0;
	s1 =	sshll.u32 s1, $0x11  }
0xba: {  	s0 =	sor.u32 s1, s0  }
0xbb: {  	s0 =	sadd.s32 $0x8F2B, s0  }
0xbc: {  	[sflag:s0] =	ssyncadd.remote.s32 $0x1  }
0xbd: {  	_ =	sfence.sel $0xFFFF  }
0xbe: {  	[dreg:$0x0] =	wrdreg $0xFFFFFFFF;
	(pc) =	sbr.abs _section_cstart, $3  }
0xbf: {  	[dreg:$0x1] =	wrdreg $0xFFFFFFFF  }
0xc0: {  	_ =	task.clear_ibuf [dreg:s6], $0x2FFFF;
	_ =	strace $0x9FFFFFFF  }
0xc1: {  	(tm) =	ssettm $0x7FFFFFFF  }
tec
execute0_lowered:
.L_overlay_start_1:
0x0: {  	(tag) =	ssettag $0x1  }
0x1: {  	v0 =	vimm.s32 $0xEFCDAB89;
	v1 =	vimm.s32 $0x67452301  }
0x2: {  	v2 =	vimm.s32 $0xDCFE98BA;
	v3 =	vimm.s32 $0x54761032;
	v4 =	vimm.s32 $0xBA98FEDC  }
0x3: {  	v5 =	vimm.s32 $0x32107654;
	v6 =	vimm.s32 $0xFEDCBA98;
	v7 =	vimm.s32 $0x76543210  }
0x4: {  	vm0 =	vmmov $0x1;
	vm1 =	vmmov $0x3;
	vm2 =	vmmov $0x7  }
0x5: {  	vm3 =	vmmov $0xf;
	vm4 =	vmmov $0x1f;
	vm5 =	vmmov $0x3f  }
0x6: {  	s4 =	rddreg [dreg:$0x0];
	vm6 =	vmmov $0x7f;
	vm7 =	vmmov $0xff;
	vm8 =	vmmov $0x1ff  }
0x7: {  	s0 =	rddreg [dreg:$0x1];
	s2 =	simm.s32 $0x0;
	s3 =	srdreg.scid;
	vm9 =	vmmov $0x3ff;
	vm10 =	vmmov $0x7ff;
	vm11 =	vmmov $0xfff  }
0x8: {  	s1 =	stileid.u32;
	s11 =	simm.s32 $0x10000;
	s12 =	simm.s32 $0x10;
	vm12 =	vmmov $0x1fff;
	v0 =	vunpack.c.l.s4.s8 v0;
	v1 =	vunpack.c.l.s4.s8 v1  }
0x9: {  	s13 =	simm.s32 $0x18000;
	s14 =	simm.s32 $0x1;
	s15 =	simm.s32 $0x18800;
	v2 =	vunpack.c.l.s4.s8 v2;
	v3 =	vunpack.c.l.s4.s8 v3;
	v4 =	vunpack.c.l.s4.s8 v4  }
0xa: {  	s16 =	simm.s32 $0x0;
	v5 =	vunpack.c.l.s4.s8 v5;
	v6 =	vunpack.c.l.s4.s8 v6;
	v7 =	vunpack.c.l.s4.s8 v7;
	s5 =	sand.u32 $0x1, s3;
	s31 =	sshll.u32 s1, $0x1  }
0xb: {  	[smem:$0x7FF] =	sst s2;
	s3 =	sadd.s32 $0x40E00, s4;
	s6 =	sor.u32 s5, s31;
	v0 =	vunpack.c.0.s8.s32 v0;
	v1 =	vunpack.c.0.s8.s32 v1;
	v2 =	vunpack.c.0.s8.s32 v2  }
0xc: {  	_ =	strace $0x80000047;
	s5 =	ssub.s32 $0x2, s5;
	v3 =	vunpack.c.0.s8.s32 v3;
	v4 =	vunpack.c.0.s8.s32 v4;
	v5 =	vunpack.c.0.s8.s32 v5;
	s7 =	sshll.u32 s6, $0xC  }
0xd: {  	vm13 =	vmmov $0x3fff;
	s6 =	sshll.u32 s6, $0x4;
	s9 =	sshrl.u32 s5, $0x1;
	s8 =	sadd.s32 s7, s4;
	v0 =	vcombine.low v1, v0;
	v1 =	vunpack.c.0.s8.s32 v6  }
0xe: {  	s10 =	sadd.s32 s6, s4;
	s9 =	ssub.s32 s5, s9;
	s6 =	sadd.s32 s3, s7;
	v2 =	vcombine.low v3, v2;
	v3 =	vcombine.low v5, v4;
	v4 =	vunpack.c.0.s8.s32 v7  }
0xf: {  	vm14 =	vmmov $0x7fff;
	s4 =	sadd.s32 $0xE00, s8;
	s5 =	sadd.s32 $0x20E00, s8;
	s7 =	sadd.s32 $0x60E00, s10;
	v0 =	vand.u32 $0xF, v0;
	v5 =	vand.u32 $0xF, v1  }
0x10: {  	s8 =	smax.u32 s9, $0x1;
	s9 =	simm.s32 $0x2;
	s10 =	simm.s32 $0x8000;
	v1 =	vand.u32 $0xF, v2;
	v2 =	vand.u32 $0xF, v3;
	v3 =	vcombine.low v5, v4  }
.LBB2_1:
0x11: {  	[tilespmem:s2], [sflag:$0x2] =	stream.linear.gather [hbm4b:s4+s2], $0x8000, $0x38;
	[tilespmem:$0x18880] =	vst v63  }
0x12: {  	_ =	swait.ge [sflag:s9], $0x8000  }
0x13: {  	[sflag:s9] =	ssyncset.done $0x0  }
0x14: {  	[sflag:s9] =	ssyncadd.s32 $0xFFFF8000  }
0x15: {  	[tilespmem:s10], [sflag:$0x2] =	stream.linear.gather [hbm4b:s5+s2], $0x8000, $0x38;
	[tilespmem:$0x18880] =	vst v63  }
0x16: {  	_ =	swait.ge [sflag:s9], $0x8000  }
0x17: {  	[sflag:s9] =	ssyncset.done $0x0  }
0x18: {  	[sflag:s9] =	ssyncadd.s32 $0xFFFF8000  }
0x19: {  	[tilespmem:s11], [sflag:$0x2] =	stream.linear.gather [hbm4b:s6+s2], $0x8000, $0x38;
	[tilespmem:$0x18880] =	vst v63  }
0x1a: {  	_ =	swait.ge [sflag:s9], $0x8000  }
0x1b: {  	[sflag:s9] =	ssyncset.done $0x0  }
0x1c: {  	v4 =	vimm.f32 $0.0e+00;
	s17 =	simm.s32 $0x0;
	[sflag:s9] =	ssyncadd.s32 $0xFFFF8000  }
.LBB2_2:
0x1d: {  	s18 =	sshra.s32 s17, $0x2  }
0x1e: {  	[tilespmem:s13], [sflag:$0x1] =	stream.indirect.gather [hbm4b:s3+s12], $0x80, s18, s12, $0xb8;
	[tilespmem:$0x18880] =	vst v63  }
0x1f: {  	_ =	swait.ge [sflag:s14], $0x800  }
0x20: {  	[sflag:s14] =	ssyncset.done $0x0  }
0x21: {  	[sflag:s14] =	ssyncadd.s32 $0xFFFFF800  }
0x22: {  	v6 =	vld [tilespmem:s18+$0x10000]  }
0x23: {  	v5 =	vld [tilespmem:s18+$0x10010]  }
0x24: {  	v7 =	vld [tilespmem:$0x18000]  }
0x25: {  	v8 =	vld [tilespmem:$0x18010]  }
0x26: {  	v9 =	vld [tilespmem:$0x18080]  }
0x27: {  	v10 =	vld [tilespmem:$0x18090]  }
0x28: {  	v11 =	vld [tilespmem:$0x18100]  }
0x29: {  	v12 =	vld [tilespmem:$0x18110]  }
0x2a: {  	v13 =	vld [tilespmem:$0x18190]  }
0x2b: {  	v16 =	vld [tilespmem:$0x18280]  }
0x2c: {  	v56 =	vld [tilespmem:$0x18300]  }
0x2d: {  	v17 =	vld [tilespmem:$0x18310]  }
0x2e: {  	v19 =	vld [tilespmem:$0x18380];
	v7 =	vsub.f32 v6, v7  }
0x2f: {  	v62 =	vld [tilespmem:$0x18400];
	v8 =	vsub.f32 v5, v8;
	v9 =	vsub.f32 v6, v9  }
0x30: {  	v21 =	vld [tilespmem:$0x18410];
	v10 =	vsub.f32 v5, v10;
	v11 =	vsub.f32 v6, v11  }
0x31: {  	v49 =	vld [tilespmem:$0x18200];
	v12 =	vsub.f32 v5, v12;
	v41 =	vsub.f32 v5, v13  }
0x32: {  	v51 =	vld [tilespmem:$0x18210];
	v16 =	vsub.f32 v6, v16;
	v13 =	vsub.f32 v6, v56  }
0x33: {  	v23 =	vld [tilespmem:$0x18480];
	v61 =	vsub.f32 v5, v17;
	v28 =	vsub.f32 v6, v19;
	v7 =	vmul.f32 v7, v7  }
0x34: {  	v17 =	vsub.f32 v6, v62;
	v8 =	vmul.f32 v8, v8;
	v9 =	vmul.f32 v9, v9  }
0x35: {  	v38 =	vld [tilespmem:$0x18180];
	v30 =	vsub.f32 v5, v21;
	v10 =	vmul.f32 v10, v10;
	v39 =	vmul.f32 v11, v11  }
0x36: {  	v40 =	vmul.f32 v12, v12;
	v44 =	vmul.f32 v41, v41;
	v11 =	vsub.f32 v6, v49  }
0x37: {  	v12 =	vsub.f32 v5, v51;
	v59 =	vmul.f32 v16, v16;
	v13 =	vmul.f32 v13, v13  }
0x38: {  	v22 =	vmul.f32 v61, v61;
	v16 =	vsub.f32 v6, v23;
	v31 =	vmul.f32 v17, v17  }
0x39: {  	v32 =	vmul.f32 v30, v30;
	v7 =	vadd.f32 v8, v7;
	v9 =	vadd.f32 v10, v9  }
0x3a: {  	v8 =	vsub.f32 v6, v38;
	v11 =	vmul.f32 v11, v11;
	v12 =	vmul.f32 v12, v12  }
0x3b: {  	v54 =	vld [tilespmem:$0x18290];
	v10 =	vadd.f32 v40, v39;
	v33 =	vmul.f32 v16, v16;
	v14 =	vperm.xlane v7, v0  }
0x3c: {  	v25 =	vld [tilespmem:$0x18490];
	v13 =	vadd.f32 v22, v13;
	v43 =	vperm.xlane v9, v0;
	v8 =	vmul.f32 v8, v8  }
0x3d: {  	v45 =	vperm.xlane v10, v0;
	v11 =	vadd.f32 v12, v11;
	v7 =	vadd.f32 v7, v14  }
0x3e: {  	v29 =	vperm.xlane v13, v0;
	v9 =	vadd.f32 v9, v43;
	v8 =	vadd.f32 v44, v8  }
0x3f: {  	v10 =	vadd.f32 v10, v45;
	v20 =	vperm.xlane v11, v0;
	v42 =	vperm.xlane v7, v1  }
0x40: {  	v14 =	vsub.f32 v5, v54;
	v47 =	vperm.xlane v9, v1;
	v48 =	vperm.xlane v8, v0  }
0x41: {  	v50 =	vperm.xlane v10, v1;
	v24 =	vadd.f32 v11, v20;
	v11 =	vsub.f32 v5, v25  }
0x42: {  	v14 =	vmul.f32 v14, v14;
	v7 =	vadd.f32 v7, v42;
	v9 =	vadd.f32 v9, v47  }
0x43: {  	v8 =	vadd.f32 v8, v48;
	v10 =	vadd.f32 v10, v50;
	v27 =	vperm.xlane v24, v1  }
0x44: {  	v60 =	vld [tilespmem:$0x18390];
	v12 =	vadd.f32 v14, v59;
	v14 =	vmul.f32 v28, v28;
	v11 =	vmul.f32 v11, v11  }
0x45: {  	v54 =	vld [tilespmem:$0x18590];
	v46 =	vperm.xlane v7, v2;
	v15 =	vperm.xlane v9, v2  }
0x46: {  	v53 =	vperm.xlane v8, v1;
	v55 =	vperm.xlane v10, v2;
	v11 =	vadd.f32 v11, v33  }
0x47: {  	v26 =	vperm.xlane v12, v0;
	v7 =	vadd.f32 v7, v46;
	v9 =	vadd.f32 v9, v15  }
0x48: {  	v8 =	vadd.f32 v8, v53;
	v10 =	vadd.f32 v10, v55;
	v39 =	vperm.xlane v11, v0  }
0x49: {  	v48 =	vld [tilespmem:$0x18510];
	v15 =	vsub.f32 v5, v60;
	v52 =	vperm.xlane v7, v3;
	v18 =	vperm.xlane v9, v3  }
0x4a: {  	v16 =	vsub.f32 v5, v54;
	v57 =	vperm.xlane v8, v2;
	v58 =	vperm.xlane v10, v3  }
0x4b: {  	v15 =	vmul.f32 v15, v15;
	v11 =	vadd.f32 v11, v39;
	v7 =	vadd.f32 v7, v52  }
0x4c: {  	v59 =	vld [tilespmem:$0x18610];
	v16 =	vmul.f32 v16, v16;
	v9 =	vadd.f32 v9, v18;
	v8 =	vadd.f32 v8, v57  }
0x4d: {  	v10 =	vadd.f32 v10, v58;
	v14 =	vadd.f32 v15, v14;
	v45 =	vperm.xlane v11, v1  }
0x4e: {  	v15 =	vsub.f32 v5, v48;
	v63 =	vperm.xlane v8, v3;
	v7 =	vsel vm0, v7, v9  }
0x4f: {  	v11 =	vadd.f32 v11, v45;
	v7 =	vsel vm1, v7, v10;
	v10 =	vadd.f32 v12, v26  }
0x50: {  	v61 =	vld [tilespmem:$0x18680];
	v36 =	vperm.xlane v14, v0;
	v12 =	vadd.f32 v13, v29;
	v13 =	vadd.f32 v32, v31  }
0x51: {  	v25 =	vld [tilespmem:$0x18700];
	v32 =	vsub.f32 v5, v59;
	v8 =	vadd.f32 v8, v63;
	v55 =	vperm.xlane v11, v2  }
0x52: {  	v46 =	vld [tilespmem:$0x18500];
	v14 =	vadd.f32 v14, v36;
	v34 =	vperm.xlane v10, v1;
	v35 =	vperm.xlane v12, v1  }
0x53: {  	v51 =	vld [tilespmem:$0x18580];
	v38 =	vperm.xlane v13, v0;
	v7 =	vsel vm2, v7, v8;
	v8 =	vadd.f32 v24, v27  }
0x54: {  	v28 =	vld [tilespmem:$0x18710];
	v15 =	vmul.f32 v15, v15;
	v11 =	vadd.f32 v11, v55;
	v9 =	vadd.f32 v10, v34  }
0x55: {  	v63 =	vld [tilespmem:$0x18690];
	v17 =	vperm.xlane v14, v1;
	v12 =	vadd.f32 v12, v35;
	v10 =	vadd.f32 v13, v38  }
0x56: {  	v31 =	vld [tilespmem:$0x18790];
	v34 =	vsub.f32 v6, v61;
	v35 =	vsub.f32 v6, v25;
	v37 =	vperm.xlane v8, v2  }
0x57: {  	v44 =	vadd.f32 v14, v17;
	v17 =	vsub.f32 v6, v46;
	v62 =	vperm.xlane v11, v3  }
0x58: {  	v14 =	vsub.f32 v6, v51;
	v40 =	vperm.xlane v9, v2;
	v41 =	vperm.xlane v12, v2  }
0x59: {  	v43 =	vperm.xlane v10, v1;
	v38 =	vmul.f32 v34, v34;
	v8 =	vadd.f32 v8, v37  }
0x5a: {  	v50 =	vperm.xlane v44, v2;
	v27 =	vadd.f32 v11, v62;
	v37 =	vsub.f32 v5, v63  }
0x5b: {  	v24 =	vmul.f32 v17, v17;
	v11 =	vsub.f32 v5, v28;
	v5 =	vsub.f32 v5, v31  }
0x5c: {  	v14 =	vmul.f32 v14, v14;
	v9 =	vadd.f32 v9, v40;
	v12 =	vadd.f32 v12, v41  }
0x5d: {  	v10 =	vadd.f32 v10, v43;
	v40 =	vmul.f32 v35, v35;
	v42 =	vperm.xlane v8, v3  }
0x5e: {  	v57 =	vld [tilespmem:$0x18600];
	v13 =	vadd.f32 v44, v50;
	v29 =	vadd.f32 v15, v24;
	v39 =	vmul.f32 v37, v37  }
0x5f: {  	v30 =	vadd.f32 v16, v14;
	v11 =	vmul.f32 v11, v11;
	v47 =	vperm.xlane v9, v3  }
0x60: {  	v49 =	vperm.xlane v12, v3;
	v53 =	vperm.xlane v10, v2;
	v8 =	vadd.f32 v8, v42  }
0x61: {  	v26 =	vld [tilespmem:$0x18780];
	v58 =	vperm.xlane v13, v3;
	v36 =	vperm.xlane v30, v0;
	v52 =	vadd.f32 v9, v47  }
0x62: {  	v12 =	vadd.f32 v12, v49;
	v56 =	vadd.f32 v10, v53;
	v7 =	vsel vm3, v7, v8  }
0x63: {  	v9 =	vsub.f32 v6, v57;
	v10 =	vadd.f32 v13, v58;
	v7 =	vsel vm4, v7, v52  }
0x64: {  	v14 =	vadd.f32 v39, v38;
	v60 =	vperm.xlane v56, v3;
	v7 =	vsel vm5, v7, v12  }
0x65: {  	v9 =	vmul.f32 v9, v9;
	v7 =	vsel vm6, v7, v10;
	v10 =	vmul.f32 v32, v32  }
0x66: {  	v5 =	vmul.f32 v5, v5;
	v6 =	vsub.f32 v6, v26;
	v8 =	vadd.f32 v56, v60  }
0x67: {  	v33 =	vperm.xlane v29, v0;
	v42 =	vadd.f32 v30, v36;
	v9 =	vadd.f32 v10, v9  }
0x68: {  	v43 =	vperm.xlane v14, v0;
	v6 =	vmul.f32 v6, v6;
	v7 =	vsel vm7, v7, v8  }
0x69: {  	v8 =	vadd.f32 v29, v33;
	v10 =	vadd.f32 v11, v40;
	v41 =	vperm.xlane v9, v0  }
0x6a: {  	v45 =	vperm.xlane v42, v1;
	v13 =	vadd.f32 v14, v43;
	v5 =	vadd.f32 v5, v6  }
0x6b: {  	v6 =	vperm.xlane v8, v1;
	v44 =	vperm.xlane v10, v0;
	v9 =	vadd.f32 v9, v41  }
0x6c: {  	v48 =	vperm.xlane v13, v1;
	v46 =	vperm.xlane v5, v0  }
0x6d: {  	v6 =	vadd.f32 v8, v6;
	v10 =	vadd.f32 v10, v44;
	v47 =	vperm.xlane v9, v1  }
0x6e: {  	v11 =	vadd.f32 v42, v45;
	v7 =	vsel vm8, v7, v27;
	v5 =	vadd.f32 v5, v46  }
0x6f: {  	v49 =	vperm.xlane v6, v2;
	v50 =	vperm.xlane v10, v1;
	v8 =	vadd.f32 v9, v47  }
0x70: {  	v12 =	vadd.f32 v13, v48;
	v15 =	vperm.xlane v11, v2;
	v51 =	vperm.xlane v5, v1  }
0x71: {  	v6 =	vadd.f32 v6, v49;
	v9 =	vadd.f32 v10, v50;
	v52 =	vperm.xlane v8, v2  }
0x72: {  	v54 =	vperm.xlane v12, v2;
	v53 =	vadd.f32 v11, v15;
	v5 =	vadd.f32 v5, v51  }
0x73: {  	v55 =	vperm.xlane v6, v3;
	v56 =	vperm.xlane v9, v2;
	v8 =	vadd.f32 v8, v52  }
0x74: {  	v11 =	vadd.f32 v12, v54;
	v15 =	vperm.xlane v53, v3;
	v57 =	vperm.xlane v5, v2  }
0x75: {  	v6 =	vadd.f32 v6, v55;
	v9 =	vadd.f32 v9, v56;
	v58 =	vperm.xlane v8, v3  }
0x76: {  	v59 =	vperm.xlane v11, v3;
	v10 =	vadd.f32 v53, v15;
	v5 =	vadd.f32 v5, v57  }
0x77: {  	v6 =	vsel vm9, v7, v6;
	v60 =	vperm.xlane v9, v3;
	v7 =	vadd.f32 v8, v58  }
0x78: {  	v61 =	vadd.f32 v11, v59;
	v62 =	vperm.xlane v5, v3;
	v6 =	vsel vm10, v6, v10  }
0x79: {  	v6 =	vsel vm11, v6, v7;
	v7 =	vadd.f32 v9, v60  }
0x7a: {  	v5 =	vadd.f32 v5, v62;
	v6 =	vsel vm12, v6, v61  }
0x7b: {  	v6 =	vsel vm13, v6, v7  }
0x7c: {  	v5 =	vsel vm14, v6, v5  }
0x7d: {  	v6 =	vshra.s32 v5, $0x1;
	v7 =	vmul.f32 $5.000000000e-01, v5  }
0x7e: {  	v6 =	vsub.s32 $0x5F3759DF, v6  }
0x7f: {  	v63 =	vmul.f32 v6, v7;
	_ =	sdelay $0x1  }
0x80: {  	v8 =	vmul.f32 v6, v63;
	_ =	sdelay $0x1  }
0x81: {  	v8 =	vsub.f32 $1.500000000e+00, v8;
	_ =	sdelay $0x1  }
0x82: {  	v6 =	vmul.f32 v6, v8;
	_ =	sdelay $0x1  }
0x83: {  	v8 =	vmul.f32 v6, v7;
	_ =	sdelay $0x1  }
0x84: {  	v8 =	vmul.f32 v8, v6;
	_ =	sdelay $0x1  }
0x85: {  	v8 =	vsub.f32 $1.500000000e+00, v8;
	_ =	sdelay $0x1  }
0x86: {  	v6 =	vmul.f32 v8, v6;
	_ =	sdelay $0x1  }
0x87: {  	v7 =	vmul.f32 v6, v7;
	_ =	sdelay $0x1  }
0x88: {  	v7 =	vmul.f32 v7, v6;
	_ =	sdelay $0x1  }
0x89: {  	v7 =	vsub.f32 $1.500000000e+00, v7;
	_ =	sdelay $0x1  }
0x8a: {  	v6 =	vmul.f32 v7, v6;
	_ =	sdelay $0x1  }
0x8b: {  	v5 =	vmul.f32 v6, v5;
	_ =	sdelay $0x1  }
0x8c: {  	v6 =	vnsel vm9, $0x0, v5  }
0x8d: {  	v7 =	vperm.xlane v6, v0;
	_ =	sdelay $0x1  }
0x8e: {  	v6 =	vmax.f32 v6, v7  }
0x8f: {  	v7 =	vperm.xlane v6, v1;
	_ =	sdelay $0x1  }
0x90: {  	v6 =	vmax.f32 v6, v7  }
0x91: {  	v7 =	vperm.xlane v6, v2;
	_ =	sdelay $0x1  }
0x92: {  	v6 =	vmax.f32 v6, v7  }
0x93: {  	v7 =	vperm.xlane v6, v3;
	_ =	sdelay $0x1  }
0x94: {  	v6 =	vmax.f32 v6, v7  }
0x95: {  	v6 =	vmax.f32 v6, $9.999999930e-09  }
0x96: {  	(erf) = vrcp.f32 v6;
	_ =	sdelay $0x6  }
0x97: {  	v6 =	vld [tilespmem:s18+$0x8000];
	_ =	sdelay $0x1  }
0x98: {  	v7 =	vpop (erf)  }
0x99: {  	v5 =	vmul.f32 v7, v5  }
0x9a: {  	p0 =	sne.s32 s17, $0x1FE00  }
.Ltmp0:
0x9b: {  	v5 =	vsub.f32 v5, v6;
	(pc) =	sbr.rel @p0 .LBB2_2-.Ltmp0, $4  }
0x9c: {  	_ = 	snop  }
0x9d: {  	v5 =	vand.u32 $0x7FFFFFFF, v5  }
0x9e: {  	v5 =	vnsel vm9, $0x0, v5  }
0x9f: {  	s17 =	sadd.s32 $0x200, s17;
	v4 =	vadd.f32 v5, v4  }
0xa0: {  	s16 =	sadd.s32 $0x1, s16  }
0xa1: {  	p0 =	sne.s32 s16, s8  }
.Ltmp1:
0xa2: {  	[tilespmem:$0x18800] =	vst v4;
	(pc) =	sbr.rel @p0 .LBB2_1-.Ltmp1, $4  }
0xa3: {  	[hbm4b:s7+s2] =	stream.linear.scatter [tilespmem:s15], [sflag:$0x2], $0x80, $0x38;
	[tilespmem:$0x18880] =	vst v63  }
0xa4: {  	_ =	swait.ge [sflag:s9], $0x80  }
0xa5: {  	[sflag:s9] =	ssyncset.done $0x0  }
0xa6: {  	[sflag:s9] =	ssyncadd.s32 $0xFFFFFF80  }
0xa7: {  	_ =	sfence.sel $0x180000  }
0xa8: {  	[bflag:$0x0] =	sbarrier.arrive $0xFFFF  }
0xa9: {  	p0 =	sne.s32 s1, $0x0;
	_ =	strace $0x90000047  }
0xaa: {  	s0 =	sadd.s32 @!p0 $0x100000, s0;
	[bflag:$0x2] =	sbarrier.arrive $0xFFFF  }
0xab: {  	[sflag:s0] =	ssyncadd.tile.s32 @!p0 $0x1;
	_ =	shalt  }
.Lfunc_end2:
_tile_overlayer_lowered:
.L_overlay_start_2:
0xac: {  	(tag) =	ssettag $0x2  }
0xad: {  	s0 =	rddreg [dreg:$0x0];
	s2 =	stileid.u32  }
0xae: {  	s1 =	rddreg [dreg:$0x1];
	p0 =	sne.s32 s2, $0x0  }
0xaf: {  	s3 =	rddreg [dreg:$0x2];
	[bflag:$0x3] =	sbarrier.arrive $0xFFFF;
	s2 =	simm.s32 @!p0 $0x1C02  }
0xb0: {  	[timem:s3], [sflag:s2] =	dma.local @!p0 [hbm:s0], s1  }
0xb1: {  	s0 =	simm.s32 @!p0 $0x2  }
0xb2: {  	_ =	swait.ge @!p0 [sflag:s0], s1  }
0xb3: {  	s1 =	ssub.s32 @!p0 $0x0, s1;
	[sflag:s0] =	ssyncset.done @!p0 $0x0  }
0xb4: {  	[sflag:s0] =	ssyncadd.s32 @!p0 s1  }
0xb5: {  	[bflag:$0x3] =	sbarrier.arrive $0xFFFF  }
0xb6: {  	_ =	shalt  }

</sc_bundles>
